<compile_context>
chip_gen: v7x
topology: tpu7x:2x2x1
jax: 0.10.2.dev20260603
libtpu: 0.0.44.dev20260713+nightly
codegen_flags: <defaults>
</compile_context>

<pallas_src>
import jax
import jax.numpy as jnp
from jax import lax
from jax.experimental import pallas as pl
from jax.experimental.pallas import tpu as pltpu
from jax.experimental.pallas import tpu_sc as plsc

_B = 16384
_D = 128
_LOSS_WEIGHT = 0.005
_SCALE = 0.5 * _LOSS_WEIGHT / _B
_NC = 2
_NS = 16
_NW = _NC * _NS
_BPW = _B // _NW
_CHUNK = 128
_NBUF = 3
_CHUNKS = tuple((o, _CHUNK) for o in range(0, _BPW, _CHUNK))
_NCH = len(_CHUNKS)
_LANES = 16
_DBLK = _D // _LANES


def _center_loss_body(feat_hbm, y_hbm, w_hbm, gamma_hbm, out_hbm,
                      idx_v, gam_v, feat_v, w_v, acc_v,
                      gsem, fsem0, fsem1, fsem2, wsem0, wsem1, wsem2):
    wid = lax.axis_index("c") * _NS + lax.axis_index("s")
    base = wid * _BPW

    fsems = (fsem0, fsem1, fsem2)
    wsems = (wsem0, wsem1, wsem2)
    fcp = [None] * _NCH
    wcp = [None] * _NCH

    def fire(ch):
        buf = ch % _NBUF
        off, size = _CHUNKS[ch]
        fcp[ch] = pltpu.async_copy(
            feat_hbm.at[pl.ds(base + off, size)],
            feat_v.at[buf, pl.ds(0, size)], fsems[buf])
        wcp[ch] = pltpu.async_copy(
            w_hbm.at[idx_v.at[pl.ds(off, size)]],
            w_v.at[buf, pl.ds(0, size)], wsems[buf])

    fcp[0] = pltpu.async_copy(
        feat_hbm.at[pl.ds(base, _CHUNK)], feat_v.at[0], fsems[0])
    pltpu.sync_copy(y_hbm.at[pl.ds(base, _BPW)], idx_v)
    wcp[0] = pltpu.async_copy(
        w_hbm.at[idx_v.at[pl.ds(0, _CHUNK)]], w_v.at[0], wsems[0])
    gcopies = [
        pltpu.async_copy(
            gamma_hbm.at[idx_v.at[pl.ds(off, size)]],
            gam_v.at[pl.ds(off, size)],
            gsem)
        for off, size in _CHUNKS]
    fire(1)
    for cp in gcopies:
        cp.wait()

    acc = jnp.zeros((_LANES,), jnp.float32)
    for ch in range(_NCH):
        if ch + 2 < _NCH:
            fire(ch + 2)
        fcp[ch].wait()
        wcp[ch].wait()
        buf = ch % _NBUF
        off, size = _CHUNKS[ch]

        @plsc.parallel_loop(0, size, unroll=2, carry=acc)
        def acc(r, acc, off=off, buf=buf):
            l = jnp.bitwise_and(r, _LANES - 1)
            g16 = gam_v[pl.ds(off + (r - l), _LANES)]
            g = g16.at[jnp.full((_LANES,), l, jnp.int32)].get(
                mode="promise_in_bounds")
            for j in range(_DBLK):
                xv = feat_v[buf, r, pl.ds(j * _LANES, _LANES)]
                wv = w_v[buf, r, pl.ds(j * _LANES, _LANES)]
                d = xv - g * wv
                acc = acc + d * d
            return acc

    acc_v[...] = acc * _SCALE
    pltpu.sync_copy(acc_v, out_hbm.at[wid])


@jax.jit
def _run(feat, y, w, gamma):
    mesh = plsc.VectorSubcoreMesh(core_axis_name="c", subcore_axis_name="s")
    out = pl.kernel(
        _center_loss_body,
        mesh=mesh,
        out_type=jax.ShapeDtypeStruct((_NW, _LANES), jnp.float32),
        scratch_types=[
            pltpu.VMEM((_BPW,), jnp.int32),
            pltpu.VMEM((_BPW,), jnp.float32),
            pltpu.VMEM((_NBUF, _CHUNK, _D), jnp.float32),
            pltpu.VMEM((_NBUF, _CHUNK, _D), jnp.float32),
            pltpu.VMEM((_LANES,), jnp.float32),
            pltpu.SemaphoreType.DMA,
            pltpu.SemaphoreType.DMA,
            pltpu.SemaphoreType.DMA,
            pltpu.SemaphoreType.DMA,
            pltpu.SemaphoreType.DMA,
            pltpu.SemaphoreType.DMA,
            pltpu.SemaphoreType.DMA,
        ],
    )(feat, y, w, gamma)
    return jnp.sum(out)


def kernel(output_features, y_truth, fixed_weights, centers_gamma):
    y = y_truth.astype(jnp.int32)
    gamma = centers_gamma.reshape(-1)
    return _run(output_features, y, fixed_weights, gamma)

# --- scband reference (transcript-rebuilt; emitter-appended) ---
"""Pipeline reference for scband-fixed-center-loss-83794811945267 (READ-ONLY COPY).

The authoritative reference and input builder live on the scoring server;
editing this copy changes nothing except your own understanding.
"""

import jax, jax.numpy as jnp
import numpy as np

NUM_CLASS = 100000
FEAT_DIM = 128
BATCH = 16384
LOSS_WEIGHT = 0.005


def setup_inputs(seed: int = 0) -> dict:
    key = jax.random.key(seed)
    k1, k2, k3 = jax.random.split(key, 3)
    output_features = jax.random.normal(k1, (BATCH, FEAT_DIM), dtype=jnp.float32)
    y_truth = jax.random.randint(k2, (BATCH,), 0, NUM_CLASS)
    # fixed (non-learned) center directions, passed to __init__ in torch
    fixed_weights = jax.random.normal(k3, (NUM_CLASS, FEAT_DIM), dtype=jnp.float32)
    # learned per-class scale, initialized to ones in torch
    centers_gamma = jnp.ones((NUM_CLASS, 1), dtype=jnp.float32)
    return {
        "output_features": output_features,
        "y_truth": y_truth,
        "fixed_weights": fixed_weights,
        "centers_gamma": centers_gamma,
    }


def reference(output_features, y_truth, fixed_weights, centers_gamma):
    # CenterLossFunc.forward
    centers = fixed_weights * centers_gamma  # [C, D]
    centers_batch = jnp.take(centers, y_truth, axis=0)  # gather [B, D]
    loss = 0.5 * jnp.sum((output_features - centers_batch) ** 2) / y_truth.shape[0]
    # FixedCenterLoss.forward applies loss_weight
    return loss * LOSS_WEIGHT

if __name__ == "__main__":
    import jax
    _d = setup_inputs()
    print(jax.jit(kernel)(*tuple(_d.values())))

</pallas_src>

<mosaic_0001>
#map = affine_map<(d0, d1) -> (0, 0)>
#map1 = affine_map<(d0, d1) -> (0)>
module attributes {stable_mosaic.version = 14 : i64} {
  func.func @_center_loss_body(%arg0: i32, %arg1: i32, %arg2: memref<16384x128xf32, #tpu.memory_space<hbm>>, %arg3: memref<16384xi32, #tpu.memory_space<hbm>>, %arg4: memref<100000x128xf32, #tpu.memory_space<hbm>>, %arg5: memref<100000xf32, #tpu.memory_space<hbm>>, %arg6: memref<32x16xf32, #tpu.memory_space<hbm>>, %arg7: memref<512xi32, #tpu.memory_space<vmem>>, %arg8: memref<512xf32, #tpu.memory_space<vmem>>, %arg9: memref<3x128x128xf32, #tpu.memory_space<vmem>>, %arg10: memref<3x128x128xf32, #tpu.memory_space<vmem>>, %arg11: memref<16xf32, #tpu.memory_space<vmem>>, %arg12: memref<!tpu.dma_semaphore, #tpu.memory_space<semaphore_mem>>, %arg13: memref<!tpu.dma_semaphore, #tpu.memory_space<semaphore_mem>>, %arg14: memref<!tpu.dma_semaphore, #tpu.memory_space<semaphore_mem>>, %arg15: memref<!tpu.dma_semaphore, #tpu.memory_space<semaphore_mem>>, %arg16: memref<!tpu.dma_semaphore, #tpu.memory_space<semaphore_mem>>, %arg17: memref<!tpu.dma_semaphore, #tpu.memory_space<semaphore_mem>>, %arg18: memref<!tpu.dma_semaphore, #tpu.memory_space<semaphore_mem>>) attributes {dimension_semantics = [#tpu.dimension_semantics<core_parallel>, #tpu.dimension_semantics<subcore_parallel>], iteration_bounds = array<i64: 2, 16>, scalar_prefetch = 0 : i64, scratch_operands = 12 : i64, tpu.core_type = #tpu.core_type<sc_vector_subcore>, window_params = [{transform_indices = #map}, {transform_indices = #map1}, {transform_indices = #map}, {transform_indices = #map1}, {transform_indices = #map}]} {
    %mul3A = arith.constant 16 : i32
    %mul3A_0 = arith.muli %arg0, %mul3A : i32
    %add3A = arith.addi %mul3A_0, %arg1 : i32
    %mul3A_1 = arith.constant 512 : i32
    %mul3A_2 = arith.muli %add3A, %mul3A_1 : i32
    %dma_start3A = arith.constant 0 : i32
    %dma_start3A_3 = arith.constant 0 : i32
    %dma_start3A_4 = arith.constant 0 : i32
    %dma_start3A_5 = tpu.memref_slice %arg9[%dma_start3A, %dma_start3A_3, %dma_start3A_4] : memref<3x128x128xf32, #tpu.memory_space<vmem>> -> memref<1x128x128xf32, #tpu.memory_space<vmem>>
    %dma_start3A_6 = tpu.memref_squeeze %dma_start3A_5 : memref<1x128x128xf32, #tpu.memory_space<vmem>> -> memref<128x128xf32, #tpu.memory_space<vmem>>
    %dma_start3A_7 = arith.constant 0 : i32
    %dma_start3A_8 = tpu.memref_slice %arg2[%mul3A_2, %dma_start3A_7] : memref<16384x128xf32, #tpu.memory_space<hbm>> -> memref<128x128xf32, #tpu.memory_space<hbm>>
    %dma_start3A_9 = arith.constant 0 : i32
    %dma_start3A_10 = arith.constant 0 : i32
    %dma_start3A_11 = tpu.memref_slice %arg9[%dma_start3A, %dma_start3A_9, %dma_start3A_10] : memref<3x128x128xf32, #tpu.memory_space<vmem>> -> memref<1x128x128xf32, #tpu.memory_space<vmem>>
    %dma_start3A_12 = tpu.memref_squeeze %dma_start3A_11 : memref<1x128x128xf32, #tpu.memory_space<vmem>> -> memref<128x128xf32, #tpu.memory_space<vmem>>
    %dma_start3A_13 = arith.constant 0 : i32
    %dma_start3A_14 = tpu.memref_slice %arg2[%mul3A_2, %dma_start3A_13] : memref<16384x128xf32, #tpu.memory_space<hbm>> -> memref<128x128xf32, #tpu.memory_space<hbm>>
    tpu.enqueue_dma source(%dma_start3A_14 : memref<128x128xf32, #tpu.memory_space<hbm>>) target(%dma_start3A_12 : memref<128x128xf32, #tpu.memory_space<vmem>>) target_semaphore(%arg13 : memref<!tpu.dma_semaphore, #tpu.memory_space<semaphore_mem>>)
    "tpu.region"() ({
      %run_scoped3A = tpu.sem_alloc : memref<!tpu.dma_semaphore, #tpu.memory_space<semaphore_mem>>
      %dma_start3A_261 = tpu.memref_slice %arg3[%mul3A_2] : memref<16384xi32, #tpu.memory_space<hbm>> -> memref<512xi32, #tpu.memory_space<hbm>>
      %dma_start3A_262 = tpu.memref_slice %arg3[%mul3A_2] : memref<16384xi32, #tpu.memory_space<hbm>> -> memref<512xi32, #tpu.memory_space<hbm>>
      tpu.enqueue_dma source(%dma_start3A_262 : memref<512xi32, #tpu.memory_space<hbm>>) target(%arg7 : memref<512xi32, #tpu.memory_space<vmem>>) target_semaphore(%run_scoped3A : memref<!tpu.dma_semaphore, #tpu.memory_space<semaphore_mem>>)
      %dma_wait3A_263 = tpu.memref_slice %arg3[%mul3A_2] : memref<16384xi32, #tpu.memory_space<hbm>> -> memref<512xi32, #tpu.memory_space<hbm>>
      %dma_wait3A_264 = tpu.memref_slice %arg3[%mul3A_2] : memref<16384xi32, #tpu.memory_space<hbm>> -> memref<512xi32, #tpu.memory_space<hbm>>
      tpu.wait_dma2 semaphore(%run_scoped3A : memref<!tpu.dma_semaphore, #tpu.memory_space<semaphore_mem>>) src(%dma_wait3A_264 : memref<512xi32, #tpu.memory_space<hbm>>) dst(%arg7 : memref<512xi32, #tpu.memory_space<vmem>>)
      tpu.yield
    }) : () -> ()
    %dma_start3A_15 = arith.constant 0 : i32
    %dma_start3A_16 = arith.constant 0 : i32
    %dma_start3A_17 = arith.constant 0 : i32
    %dma_start3A_18 = tpu.memref_slice %arg10[%dma_start3A_15, %dma_start3A_16, %dma_start3A_17] : memref<3x128x128xf32, #tpu.memory_space<vmem>> -> memref<1x128x128xf32, #tpu.memory_space<vmem>>
    %dma_start3A_19 = tpu.memref_squeeze %dma_start3A_18 : memref<1x128x128xf32, #tpu.memory_space<vmem>> -> memref<128x128xf32, #tpu.memory_space<vmem>>
    %dma_start3A_20 = arith.constant 0 : i32
    %dma_start3A_21 = tpu.memref_slice %arg7[%dma_start3A_20] : memref<512xi32, #tpu.memory_space<vmem>> -> memref<128xi32, #tpu.memory_space<vmem>>
    %dma_start3A_22 = arith.constant 0 : i32
    %dma_start3A_23 = arith.constant 0 : i32
    %dma_start3A_24 = tpu.memref_slice %arg4[%dma_start3A_22, %dma_start3A_23] : memref<100000x128xf32, #tpu.memory_space<hbm>> -> memref<100000x128xf32, #tpu.memory_space<hbm>>
    tpu.enqueue_indirect_dma source(%dma_start3A_24 : memref<100000x128xf32, #tpu.memory_space<hbm>>) target(%dma_start3A_19 : memref<128x128xf32, #tpu.memory_space<vmem>>) offsets(%dma_start3A_21 : memref<128xi32, #tpu.memory_space<vmem>>) semaphore(%arg16 : memref<!tpu.dma_semaphore, #tpu.memory_space<semaphore_mem>>)
    %dma_start3A_25 = arith.constant 0 : i32
    %dma_start3A_26 = tpu.memref_slice %arg8[%dma_start3A_25] : memref<512xf32, #tpu.memory_space<vmem>> -> memref<128xf32, #tpu.memory_space<vmem>>
    %dma_start3A_27 = arith.constant 0 : i32
    %dma_start3A_28 = tpu.memref_slice %arg7[%dma_start3A_27] : memref<512xi32, #tpu.memory_space<vmem>> -> memref<128xi32, #tpu.memory_space<vmem>>
    %dma_start3A_29 = arith.constant 0 : i32
    %dma_start3A_30 = tpu.memref_slice %arg5[%dma_start3A_29] : memref<100000xf32, #tpu.memory_space<hbm>> -> memref<100000xf32, #tpu.memory_space<hbm>>
    tpu.enqueue_indirect_dma source(%dma_start3A_30 : memref<100000xf32, #tpu.memory_space<hbm>>) target(%dma_start3A_26 : memref<128xf32, #tpu.memory_space<vmem>>) offsets(%dma_start3A_28 : memref<128xi32, #tpu.memory_space<vmem>>) semaphore(%arg12 : memref<!tpu.dma_semaphore, #tpu.memory_space<semaphore_mem>>)
    %dma_start3A_31 = arith.constant 128 : i32
    %dma_start3A_32 = tpu.memref_slice %arg8[%dma_start3A_31] : memref<512xf32, #tpu.memory_space<vmem>> -> memref<128xf32, #tpu.memory_space<vmem>>
    %dma_start3A_33 = arith.constant 128 : i32
    %dma_start3A_34 = tpu.memref_slice %arg7[%dma_start3A_33] : memref<512xi32, #tpu.memory_space<vmem>> -> memref<128xi32, #tpu.memory_space<vmem>>
    %dma_start3A_35 = arith.constant 0 : i32
    %dma_start3A_36 = tpu.memref_slice %arg5[%dma_start3A_35] : memref<100000xf32, #tpu.memory_space<hbm>> -> memref<100000xf32, #tpu.memory_space<hbm>>
    tpu.enqueue_indirect_dma source(%dma_start3A_36 : memref<100000xf32, #tpu.memory_space<hbm>>) target(%dma_start3A_32 : memref<128xf32, #tpu.memory_space<vmem>>) offsets(%dma_start3A_34 : memref<128xi32, #tpu.memory_space<vmem>>) semaphore(%arg12 : memref<!tpu.dma_semaphore, #tpu.memory_space<semaphore_mem>>)
    %dma_start3A_37 = arith.constant 256 : i32
    %dma_start3A_38 = tpu.memref_slice %arg8[%dma_start3A_37] : memref<512xf32, #tpu.memory_space<vmem>> -> memref<128xf32, #tpu.memory_space<vmem>>
    %dma_start3A_39 = arith.constant 256 : i32
    %dma_start3A_40 = tpu.memref_slice %arg7[%dma_start3A_39] : memref<512xi32, #tpu.memory_space<vmem>> -> memref<128xi32, #tpu.memory_space<vmem>>
    %dma_start3A_41 = arith.constant 0 : i32
    %dma_start3A_42 = tpu.memref_slice %arg5[%dma_start3A_41] : memref<100000xf32, #tpu.memory_space<hbm>> -> memref<100000xf32, #tpu.memory_space<hbm>>
    tpu.enqueue_indirect_dma source(%dma_start3A_42 : memref<100000xf32, #tpu.memory_space<hbm>>) target(%dma_start3A_38 : memref<128xf32, #tpu.memory_space<vmem>>) offsets(%dma_start3A_40 : memref<128xi32, #tpu.memory_space<vmem>>) semaphore(%arg12 : memref<!tpu.dma_semaphore, #tpu.memory_space<semaphore_mem>>)
    %dma_start3A_43 = arith.constant 384 : i32
    %dma_start3A_44 = tpu.memref_slice %arg8[%dma_start3A_43] : memref<512xf32, #tpu.memory_space<vmem>> -> memref<128xf32, #tpu.memory_space<vmem>>
    %dma_start3A_45 = arith.constant 384 : i32
    %dma_start3A_46 = tpu.memref_slice %arg7[%dma_start3A_45] : memref<512xi32, #tpu.memory_space<vmem>> -> memref<128xi32, #tpu.memory_space<vmem>>
    %dma_start3A_47 = arith.constant 0 : i32
    %dma_start3A_48 = tpu.memref_slice %arg5[%dma_start3A_47] : memref<100000xf32, #tpu.memory_space<hbm>> -> memref<100000xf32, #tpu.memory_space<hbm>>
    tpu.enqueue_indirect_dma source(%dma_start3A_48 : memref<100000xf32, #tpu.memory_space<hbm>>) target(%dma_start3A_44 : memref<128xf32, #tpu.memory_space<vmem>>) offsets(%dma_start3A_46 : memref<128xi32, #tpu.memory_space<vmem>>) semaphore(%arg12 : memref<!tpu.dma_semaphore, #tpu.memory_space<semaphore_mem>>)
    %add3A_49 = arith.constant 128 : i32
    %add3A_50 = arith.addi %mul3A_2, %add3A_49 : i32
    %dma_start3A_51 = arith.constant 1 : i32
    %dma_start3A_52 = arith.constant 0 : i32
    %dma_start3A_53 = arith.constant 0 : i32
    %dma_start3A_54 = tpu.memref_slice %arg9[%dma_start3A_51, %dma_start3A_52, %dma_start3A_53] : memref<3x128x128xf32, #tpu.memory_space<vmem>> -> memref<1x128x128xf32, #tpu.memory_space<vmem>>
    %dma_start3A_55 = tpu.memref_squeeze %dma_start3A_54 : memref<1x128x128xf32, #tpu.memory_space<vmem>> -> memref<128x128xf32, #tpu.memory_space<vmem>>
    %dma_start3A_56 = arith.constant 0 : i32
    %dma_start3A_57 = tpu.memref_slice %arg2[%add3A_50, %dma_start3A_56] : memref<16384x128xf32, #tpu.memory_space<hbm>> -> memref<128x128xf32, #tpu.memory_space<hbm>>
    %dma_start3A_58 = arith.constant 0 : i32
    %dma_start3A_59 = arith.constant 0 : i32
    %dma_start3A_60 = tpu.memref_slice %arg9[%dma_start3A_51, %dma_start3A_58, %dma_start3A_59] : memref<3x128x128xf32, #tpu.memory_space<vmem>> -> memref<1x128x128xf32, #tpu.memory_space<vmem>>
    %dma_start3A_61 = tpu.memref_squeeze %dma_start3A_60 : memref<1x128x128xf32, #tpu.memory_space<vmem>> -> memref<128x128xf32, #tpu.memory_space<vmem>>
    %dma_start3A_62 = arith.constant 0 : i32
    %dma_start3A_63 = tpu.memref_slice %arg2[%add3A_50, %dma_start3A_62] : memref<16384x128xf32, #tpu.memory_space<hbm>> -> memref<128x128xf32, #tpu.memory_space<hbm>>
    tpu.enqueue_dma source(%dma_start3A_63 : memref<128x128xf32, #tpu.memory_space<hbm>>) target(%dma_start3A_61 : memref<128x128xf32, #tpu.memory_space<vmem>>) target_semaphore(%arg14 : memref<!tpu.dma_semaphore, #tpu.memory_space<semaphore_mem>>)
    %dma_start3A_64 = arith.constant 1 : i32
    %dma_start3A_65 = arith.constant 0 : i32
    %dma_start3A_66 = arith.constant 0 : i32
    %dma_start3A_67 = tpu.memref_slice %arg10[%dma_start3A_64, %dma_start3A_65, %dma_start3A_66] : memref<3x128x128xf32, #tpu.memory_space<vmem>> -> memref<1x128x128xf32, #tpu.memory_space<vmem>>
    %dma_start3A_68 = tpu.memref_squeeze %dma_start3A_67 : memref<1x128x128xf32, #tpu.memory_space<vmem>> -> memref<128x128xf32, #tpu.memory_space<vmem>>
    %dma_start3A_69 = arith.constant 128 : i32
    %dma_start3A_70 = tpu.memref_slice %arg7[%dma_start3A_69] : memref<512xi32, #tpu.memory_space<vmem>> -> memref<128xi32, #tpu.memory_space<vmem>>
    %dma_start3A_71 = arith.constant 0 : i32
    %dma_start3A_72 = arith.constant 0 : i32
    %dma_start3A_73 = tpu.memref_slice %arg4[%dma_start3A_71, %dma_start3A_72] : memref<100000x128xf32, #tpu.memory_space<hbm>> -> memref<100000x128xf32, #tpu.memory_space<hbm>>
    tpu.enqueue_indirect_dma source(%dma_start3A_73 : memref<100000x128xf32, #tpu.memory_space<hbm>>) target(%dma_start3A_68 : memref<128x128xf32, #tpu.memory_space<vmem>>) offsets(%dma_start3A_70 : memref<128xi32, #tpu.memory_space<vmem>>) semaphore(%arg17 : memref<!tpu.dma_semaphore, #tpu.memory_space<semaphore_mem>>)
    %dma_wait3A = arith.constant 0 : i32
    %dma_wait3A_74 = tpu.memref_slice %arg8[%dma_wait3A] : memref<512xf32, #tpu.memory_space<vmem>> -> memref<128xf32, #tpu.memory_space<vmem>>
    %dma_wait3A_75 = arith.constant 0 : i32
    %dma_wait3A_76 = tpu.memref_slice %arg7[%dma_wait3A_75] : memref<512xi32, #tpu.memory_space<vmem>> -> memref<128xi32, #tpu.memory_space<vmem>>
    %dma_wait3A_77 = arith.constant 0 : i32
    %dma_wait3A_78 = tpu.memref_slice %arg5[%dma_wait3A_77] : memref<100000xf32, #tpu.memory_space<hbm>> -> memref<100000xf32, #tpu.memory_space<hbm>>
    tpu.wait_indirect_dma semaphore(%arg12 : memref<!tpu.dma_semaphore, #tpu.memory_space<semaphore_mem>>) src(%dma_wait3A_78 : memref<100000xf32, #tpu.memory_space<hbm>>) dst(%dma_wait3A_74 : memref<128xf32, #tpu.memory_space<vmem>>)
    %dma_wait3A_79 = arith.constant 128 : i32
    %dma_wait3A_80 = tpu.memref_slice %arg8[%dma_wait3A_79] : memref<512xf32, #tpu.memory_space<vmem>> -> memref<128xf32, #tpu.memory_space<vmem>>
    %dma_wait3A_81 = arith.constant 128 : i32
    %dma_wait3A_82 = tpu.memref_slice %arg7[%dma_wait3A_81] : memref<512xi32, #tpu.memory_space<vmem>> -> memref<128xi32, #tpu.memory_space<vmem>>
    %dma_wait3A_83 = arith.constant 0 : i32
    %dma_wait3A_84 = tpu.memref_slice %arg5[%dma_wait3A_83] : memref<100000xf32, #tpu.memory_space<hbm>> -> memref<100000xf32, #tpu.memory_space<hbm>>
    tpu.wait_indirect_dma semaphore(%arg12 : memref<!tpu.dma_semaphore, #tpu.memory_space<semaphore_mem>>) src(%dma_wait3A_84 : memref<100000xf32, #tpu.memory_space<hbm>>) dst(%dma_wait3A_80 : memref<128xf32, #tpu.memory_space<vmem>>)
    %dma_wait3A_85 = arith.constant 256 : i32
    %dma_wait3A_86 = tpu.memref_slice %arg8[%dma_wait3A_85] : memref<512xf32, #tpu.memory_space<vmem>> -> memref<128xf32, #tpu.memory_space<vmem>>
    %dma_wait3A_87 = arith.constant 256 : i32
    %dma_wait3A_88 = tpu.memref_slice %arg7[%dma_wait3A_87] : memref<512xi32, #tpu.memory_space<vmem>> -> memref<128xi32, #tpu.memory_space<vmem>>
    %dma_wait3A_89 = arith.constant 0 : i32
    %dma_wait3A_90 = tpu.memref_slice %arg5[%dma_wait3A_89] : memref<100000xf32, #tpu.memory_space<hbm>> -> memref<100000xf32, #tpu.memory_space<hbm>>
    tpu.wait_indirect_dma semaphore(%arg12 : memref<!tpu.dma_semaphore, #tpu.memory_space<semaphore_mem>>) src(%dma_wait3A_90 : memref<100000xf32, #tpu.memory_space<hbm>>) dst(%dma_wait3A_86 : memref<128xf32, #tpu.memory_space<vmem>>)
    %dma_wait3A_91 = arith.constant 384 : i32
    %dma_wait3A_92 = tpu.memref_slice %arg8[%dma_wait3A_91] : memref<512xf32, #tpu.memory_space<vmem>> -> memref<128xf32, #tpu.memory_space<vmem>>
    %dma_wait3A_93 = arith.constant 384 : i32
    %dma_wait3A_94 = tpu.memref_slice %arg7[%dma_wait3A_93] : memref<512xi32, #tpu.memory_space<vmem>> -> memref<128xi32, #tpu.memory_space<vmem>>
    %dma_wait3A_95 = arith.constant 0 : i32
    %dma_wait3A_96 = tpu.memref_slice %arg5[%dma_wait3A_95] : memref<100000xf32, #tpu.memory_space<hbm>> -> memref<100000xf32, #tpu.memory_space<hbm>>
    tpu.wait_indirect_dma semaphore(%arg12 : memref<!tpu.dma_semaphore, #tpu.memory_space<semaphore_mem>>) src(%dma_wait3A_96 : memref<100000xf32, #tpu.memory_space<hbm>>) dst(%dma_wait3A_92 : memref<128xf32, #tpu.memory_space<vmem>>)
    %broadcast_in_dim3A = arith.constant 0.000000e+00 : f32
    %broadcast_in_dim3A_97 = vector.broadcast %broadcast_in_dim3A : f32 to vector<16xf32>
    %add3A_98 = arith.constant 256 : i32
    %add3A_99 = arith.addi %mul3A_2, %add3A_98 : i32
    %dma_start3A_100 = arith.constant 2 : i32
    %dma_start3A_101 = arith.constant 0 : i32
    %dma_start3A_102 = arith.constant 0 : i32
    %dma_start3A_103 = tpu.memref_slice %arg9[%dma_start3A_100, %dma_start3A_101, %dma_start3A_102] : memref<3x128x128xf32, #tpu.memory_space<vmem>> -> memref<1x128x128xf32, #tpu.memory_space<vmem>>
    %dma_start3A_104 = tpu.memref_squeeze %dma_start3A_103 : memref<1x128x128xf32, #tpu.memory_space<vmem>> -> memref<128x128xf32, #tpu.memory_space<vmem>>
    %dma_start3A_105 = arith.constant 0 : i32
    %dma_start3A_106 = tpu.memref_slice %arg2[%add3A_99, %dma_start3A_105] : memref<16384x128xf32, #tpu.memory_space<hbm>> -> memref<128x128xf32, #tpu.memory_space<hbm>>
    %dma_start3A_107 = arith.constant 0 : i32
    %dma_start3A_108 = arith.constant 0 : i32
    %dma_start3A_109 = tpu.memref_slice %arg9[%dma_start3A_100, %dma_start3A_107, %dma_start3A_108] : memref<3x128x128xf32, #tpu.memory_space<vmem>> -> memref<1x128x128xf32, #tpu.memory_space<vmem>>
    %dma_start3A_110 = tpu.memref_squeeze %dma_start3A_109 : memref<1x128x128xf32, #tpu.memory_space<vmem>> -> memref<128x128xf32, #tpu.memory_space<vmem>>
    %dma_start3A_111 = arith.constant 0 : i32
    %dma_start3A_112 = tpu.memref_slice %arg2[%add3A_99, %dma_start3A_111] : memref<16384x128xf32, #tpu.memory_space<hbm>> -> memref<128x128xf32, #tpu.memory_space<hbm>>
    tpu.enqueue_dma source(%dma_start3A_112 : memref<128x128xf32, #tpu.memory_space<hbm>>) target(%dma_start3A_110 : memref<128x128xf32, #tpu.memory_space<vmem>>) target_semaphore(%arg15 : memref<!tpu.dma_semaphore, #tpu.memory_space<semaphore_mem>>)
    %dma_start3A_113 = arith.constant 2 : i32
    %dma_start3A_114 = arith.constant 0 : i32
    %dma_start3A_115 = arith.constant 0 : i32
    %dma_start3A_116 = tpu.memref_slice %arg10[%dma_start3A_113, %dma_start3A_114, %dma_start3A_115] : memref<3x128x128xf32, #tpu.memory_space<vmem>> -> memref<1x128x128xf32, #tpu.memory_space<vmem>>
    %dma_start3A_117 = tpu.memref_squeeze %dma_start3A_116 : memref<1x128x128xf32, #tpu.memory_space<vmem>> -> memref<128x128xf32, #tpu.memory_space<vmem>>
    %dma_start3A_118 = arith.constant 256 : i32
    %dma_start3A_119 = tpu.memref_slice %arg7[%dma_start3A_118] : memref<512xi32, #tpu.memory_space<vmem>> -> memref<128xi32, #tpu.memory_space<vmem>>
    %dma_start3A_120 = arith.constant 0 : i32
    %dma_start3A_121 = arith.constant 0 : i32
    %dma_start3A_122 = tpu.memref_slice %arg4[%dma_start3A_120, %dma_start3A_121] : memref<100000x128xf32, #tpu.memory_space<hbm>> -> memref<100000x128xf32, #tpu.memory_space<hbm>>
    tpu.enqueue_indirect_dma source(%dma_start3A_122 : memref<100000x128xf32, #tpu.memory_space<hbm>>) target(%dma_start3A_117 : memref<128x128xf32, #tpu.memory_space<vmem>>) offsets(%dma_start3A_119 : memref<128xi32, #tpu.memory_space<vmem>>) semaphore(%arg18 : memref<!tpu.dma_semaphore, #tpu.memory_space<semaphore_mem>>)
    %dma_wait3A_123 = arith.constant 0 : i32
    %dma_wait3A_124 = arith.constant 0 : i32
    %dma_wait3A_125 = arith.constant 0 : i32
    %dma_wait3A_126 = tpu.memref_slice %arg9[%dma_wait3A_123, %dma_wait3A_124, %dma_wait3A_125] : memref<3x128x128xf32, #tpu.memory_space<vmem>> -> memref<1x128x128xf32, #tpu.memory_space<vmem>>
    %dma_wait3A_127 = tpu.memref_squeeze %dma_wait3A_126 : memref<1x128x128xf32, #tpu.memory_space<vmem>> -> memref<128x128xf32, #tpu.memory_space<vmem>>
    %dma_wait3A_128 = arith.constant 0 : i32
    %dma_wait3A_129 = tpu.memref_slice %arg2[%mul3A_2, %dma_wait3A_128] : memref<16384x128xf32, #tpu.memory_space<hbm>> -> memref<128x128xf32, #tpu.memory_space<hbm>>
    %dma_wait3A_130 = arith.constant 0 : i32
    %dma_wait3A_131 = arith.constant 0 : i32
    %dma_wait3A_132 = tpu.memref_slice %arg9[%dma_wait3A_123, %dma_wait3A_130, %dma_wait3A_131] : memref<3x128x128xf32, #tpu.memory_space<vmem>> -> memref<1x128x128xf32, #tpu.memory_space<vmem>>
    %dma_wait3A_133 = tpu.memref_squeeze %dma_wait3A_132 : memref<1x128x128xf32, #tpu.memory_space<vmem>> -> memref<128x128xf32, #tpu.memory_space<vmem>>
    %dma_wait3A_134 = arith.constant 0 : i32
    %dma_wait3A_135 = tpu.memref_slice %arg2[%mul3A_2, %dma_wait3A_134] : memref<16384x128xf32, #tpu.memory_space<hbm>> -> memref<128x128xf32, #tpu.memory_space<hbm>>
    tpu.wait_dma2 semaphore(%arg13 : memref<!tpu.dma_semaphore, #tpu.memory_space<semaphore_mem>>) src(%dma_wait3A_135 : memref<128x128xf32, #tpu.memory_space<hbm>>) dst(%dma_wait3A_133 : memref<128x128xf32, #tpu.memory_space<vmem>>)
    %dma_wait3A_136 = arith.constant 0 : i32
    %dma_wait3A_137 = arith.constant 0 : i32
    %dma_wait3A_138 = arith.constant 0 : i32
    %dma_wait3A_139 = tpu.memref_slice %arg10[%dma_wait3A_136, %dma_wait3A_137, %dma_wait3A_138] : memref<3x128x128xf32, #tpu.memory_space<vmem>> -> memref<1x128x128xf32, #tpu.memory_space<vmem>>
    %dma_wait3A_140 = tpu.memref_squeeze %dma_wait3A_139 : memref<1x128x128xf32, #tpu.memory_space<vmem>> -> memref<128x128xf32, #tpu.memory_space<vmem>>
    %dma_wait3A_141 = arith.constant 0 : i32
    %dma_wait3A_142 = tpu.memref_slice %arg7[%dma_wait3A_141] : memref<512xi32, #tpu.memory_space<vmem>> -> memref<128xi32, #tpu.memory_space<vmem>>
    %dma_wait3A_143 = arith.constant 0 : i32
    %dma_wait3A_144 = arith.constant 0 : i32
    %dma_wait3A_145 = tpu.memref_slice %arg4[%dma_wait3A_143, %dma_wait3A_144] : memref<100000x128xf32, #tpu.memory_space<hbm>> -> memref<100000x128xf32, #tpu.memory_space<hbm>>
    tpu.wait_indirect_dma semaphore(%arg16 : memref<!tpu.dma_semaphore, #tpu.memory_space<semaphore_mem>>) src(%dma_wait3A_145 : memref<100000x128xf32, #tpu.memory_space<hbm>>) dst(%dma_wait3A_140 : memref<128x128xf32, #tpu.memory_space<vmem>>)
    %parallel_loop3A = arith.constant 0 : i32
    %parallel_loop3A_146 = arith.constant 128 : i32
    %parallel_loop3A_147 = arith.constant 1 : i32
    %parallel_loop3A_148 = scf.for %parallel_loop3A_261 = %parallel_loop3A to %parallel_loop3A_146 step %parallel_loop3A_147 iter_args(%parallel_loop3A_262 = %broadcast_in_dim3A_97) -> (vector<16xf32>)  : i32 {
      %parallel_loop3A_263 = arith.constant 15 : i32
      %parallel_loop3A_264 = arith.andi %parallel_loop3A_261, %parallel_loop3A_263 : i32
      %parallel_loop3A_265 = arith.subi %parallel_loop3A_261, %parallel_loop3A_264 : i32
      %parallel_loop3A_266 = arith.constant 0 : i32
      %parallel_loop3A_267 = arith.addi %parallel_loop3A_266, %parallel_loop3A_265 : i32
      %parallel_loop3A_268 = arith.index_cast %parallel_loop3A_267 : i32 to index
      %parallel_loop3A_269 = tpu.vector_load %arg8[%parallel_loop3A_268] {strides = array<i32>} : memref<512xf32, #tpu.memory_space<vmem>>, vector<16xf32>,
      %parallel_loop3A_270 = vector.shape_cast %parallel_loop3A_269 : vector<16xf32> to vector<16xf32>
      %parallel_loop3A_271 = vector.broadcast %parallel_loop3A_264 : i32 to vector<16xi32>
      %parallel_loop3A_272 = arith.constant 0 : i32
      %parallel_loop3A_273 = vector.broadcast %parallel_loop3A_272 : i32 to vector<16xi32>
      %parallel_loop3A_274 = arith.cmpi slt, %parallel_loop3A_271, %parallel_loop3A_273 : vector<16xi32>
      %parallel_loop3A_275 = arith.constant 16 : i32
      %parallel_loop3A_276 = vector.broadcast %parallel_loop3A_275 : i32 to vector<16xi32>
      %parallel_loop3A_277 = arith.addi %parallel_loop3A_271, %parallel_loop3A_276 : vector<16xi32>
      %parallel_loop3A_278 = arith.select %parallel_loop3A_274, %parallel_loop3A_277, %parallel_loop3A_271 : vector<16xi1>, vector<16xi32>
      %parallel_loop3A_279 = vector.shape_cast %parallel_loop3A_278 : vector<16xi32> to vector<16x1xi32>
      %parallel_loop3A_280 = vector.shape_cast %parallel_loop3A_279 : vector<16x1xi32> to vector<16xi32>
      %parallel_loop3A_281 = tpu.dynamic_gather %parallel_loop3A_270[%parallel_loop3A_280] in [0] : vector<16xf32>, vector<16xi32> -> vector<16xf32>
      %parallel_loop3A_282 = arith.constant 0 : i32
      %parallel_loop3A_283 = arith.index_cast %parallel_loop3A_282 : i32 to index
      %parallel_loop3A_284 = arith.index_cast %parallel_loop3A_261 : i32 to index
      %parallel_loop3A_285 = arith.constant 0 : index
      %parallel_loop3A_286 = tpu.vector_load %arg9[%parallel_loop3A_283, %parallel_loop3A_284, %parallel_loop3A_285] {strides = array<i32>} : memref<3x128x128xf32, #tpu.memory_space<vmem>>, vector<1x1x16xf32>,
      %parallel_loop3A_287 = vector.shape_cast %parallel_loop3A_286 : vector<1x1x16xf32> to vector<16xf32>
      %parallel_loop3A_288 = arith.constant 0 : i32
      %parallel_loop3A_289 = arith.index_cast %parallel_loop3A_288 : i32 to index
      %parallel_loop3A_290 = arith.index_cast %parallel_loop3A_261 : i32 to index
      %parallel_loop3A_291 = arith.constant 0 : index
      %parallel_loop3A_292 = tpu.vector_load %arg10[%parallel_loop3A_289, %parallel_loop3A_290, %parallel_loop3A_291] {strides = array<i32>} : memref<3x128x128xf32, #tpu.memory_space<vmem>>, vector<1x1x16xf32>,
      %parallel_loop3A_293 = vector.shape_cast %parallel_loop3A_292 : vector<1x1x16xf32> to vector<16xf32>
      %parallel_loop3A_294 = arith.mulf %parallel_loop3A_281, %parallel_loop3A_293 : vector<16xf32>
      %parallel_loop3A_295 = arith.subf %parallel_loop3A_287, %parallel_loop3A_294 : vector<16xf32>
      %parallel_loop3A_296 = arith.mulf %parallel_loop3A_295, %parallel_loop3A_295 : vector<16xf32>
      %parallel_loop3A_297 = arith.addf %parallel_loop3A_262, %parallel_loop3A_296 : vector<16xf32>
      %parallel_loop3A_298 = arith.constant 0 : i32
      %parallel_loop3A_299 = arith.index_cast %parallel_loop3A_298 : i32 to index
      %parallel_loop3A_300 = arith.index_cast %parallel_loop3A_261 : i32 to index
      %parallel_loop3A_301 = arith.constant 16 : index
      %parallel_loop3A_302 = tpu.vector_load %arg9[%parallel_loop3A_299, %parallel_loop3A_300, %parallel_loop3A_301] {strides = array<i32>} : memref<3x128x128xf32, #tpu.memory_space<vmem>>, vector<1x1x16xf32>,
      %parallel_loop3A_303 = vector.shape_cast %parallel_loop3A_302 : vector<1x1x16xf32> to vector<16xf32>
      %parallel_loop3A_304 = arith.constant 0 : i32
      %parallel_loop3A_305 = arith.index_cast %parallel_loop3A_304 : i32 to index
      %parallel_loop3A_306 = arith.index_cast %parallel_loop3A_261 : i32 to index
      %parallel_loop3A_307 = arith.constant 16 : index
      %parallel_loop3A_308 = tpu.vector_load %arg10[%parallel_loop3A_305, %parallel_loop3A_306, %parallel_loop3A_307] {strides = array<i32>} : memref<3x128x128xf32, #tpu.memory_space<vmem>>, vector<1x1x16xf32>,
      %parallel_loop3A_309 = vector.shape_cast %parallel_loop3A_308 : vector<1x1x16xf32> to vector<16xf32>
      %parallel_loop3A_310 = arith.mulf %parallel_loop3A_281, %parallel_loop3A_309 : vector<16xf32>
      %parallel_loop3A_311 = arith.subf %parallel_loop3A_303, %parallel_loop3A_310 : vector<16xf32>
      %parallel_loop3A_312 = arith.mulf %parallel_loop3A_311, %parallel_loop3A_311 : vector<16xf32>
      %parallel_loop3A_313 = arith.addf %parallel_loop3A_297, %parallel_loop3A_312 : vector<16xf32>
      %parallel_loop3A_314 = arith.constant 0 : i32
      %parallel_loop3A_315 = arith.index_cast %parallel_loop3A_314 : i32 to index
      %parallel_loop3A_316 = arith.index_cast %parallel_loop3A_261 : i32 to index
      %parallel_loop3A_317 = arith.constant 32 : index
      %parallel_loop3A_318 = tpu.vector_load %arg9[%parallel_loop3A_315, %parallel_loop3A_316, %parallel_loop3A_317] {strides = array<i32>} : memref<3x128x128xf32, #tpu.memory_space<vmem>>, vector<1x1x16xf32>,
      %parallel_loop3A_319 = vector.shape_cast %parallel_loop3A_318 : vector<1x1x16xf32> to vector<16xf32>
      %parallel_loop3A_320 = arith.constant 0 : i32
      %parallel_loop3A_321 = arith.index_cast %parallel_loop3A_320 : i32 to index
      %parallel_loop3A_322 = arith.index_cast %parallel_loop3A_261 : i32 to index
      %parallel_loop3A_323 = arith.constant 32 : index
      %parallel_loop3A_324 = tpu.vector_load %arg10[%parallel_loop3A_321, %parallel_loop3A_322, %parallel_loop3A_323] {strides = array<i32>} : memref<3x128x128xf32, #tpu.memory_space<vmem>>, vector<1x1x16xf32>,
      %parallel_loop3A_325 = vector.shape_cast %parallel_loop3A_324 : vector<1x1x16xf32> to vector<16xf32>
      %parallel_loop3A_326 = arith.mulf %parallel_loop3A_281, %parallel_loop3A_325 : vector<16xf32>
      %parallel_loop3A_327 = arith.subf %parallel_loop3A_319, %parallel_loop3A_326 : vector<16xf32>
      %parallel_loop3A_328 = arith.mulf %parallel_loop3A_327, %parallel_loop3A_327 : vector<16xf32>
      %parallel_loop3A_329 = arith.addf %parallel_loop3A_313, %parallel_loop3A_328 : vector<16xf32>
      %parallel_loop3A_330 = arith.constant 0 : i32
      %parallel_loop3A_331 = arith.index_cast %parallel_loop3A_330 : i32 to index
      %parallel_loop3A_332 = arith.index_cast %parallel_loop3A_261 : i32 to index
      %parallel_loop3A_333 = arith.constant 48 : index
      %parallel_loop3A_334 = tpu.vector_load %arg9[%parallel_loop3A_331, %parallel_loop3A_332, %parallel_loop3A_333] {strides = array<i32>} : memref<3x128x128xf32, #tpu.memory_space<vmem>>, vector<1x1x16xf32>,
      %parallel_loop3A_335 = vector.shape_cast %parallel_loop3A_334 : vector<1x1x16xf32> to vector<16xf32>
      %parallel_loop3A_336 = arith.constant 0 : i32
      %parallel_loop3A_337 = arith.index_cast %parallel_loop3A_336 : i32 to index
      %parallel_loop3A_338 = arith.index_cast %parallel_loop3A_261 : i32 to index
      %parallel_loop3A_339 = arith.constant 48 : index
      %parallel_loop3A_340 = tpu.vector_load %arg10[%parallel_loop3A_337, %parallel_loop3A_338, %parallel_loop3A_339] {strides = array<i32>} : memref<3x128x128xf32, #tpu.memory_space<vmem>>, vector<1x1x16xf32>,
      %parallel_loop3A_341 = vector.shape_cast %parallel_loop3A_340 : vector<1x1x16xf32> to vector<16xf32>
      %parallel_loop3A_342 = arith.mulf %parallel_loop3A_281, %parallel_loop3A_341 : vector<16xf32>
      %parallel_loop3A_343 = arith.subf %parallel_loop3A_335, %parallel_loop3A_342 : vector<16xf32>
      %parallel_loop3A_344 = arith.mulf %parallel_loop3A_343, %parallel_loop3A_343 : vector<16xf32>
      %parallel_loop3A_345 = arith.addf %parallel_loop3A_329, %parallel_loop3A_344 : vector<16xf32>
      %parallel_loop3A_346 = arith.constant 0 : i32
      %parallel_loop3A_347 = arith.index_cast %parallel_loop3A_346 : i32 to index
      %parallel_loop3A_348 = arith.index_cast %parallel_loop3A_261 : i32 to index
      %parallel_loop3A_349 = arith.constant 64 : index
      %parallel_loop3A_350 = tpu.vector_load %arg9[%parallel_loop3A_347, %parallel_loop3A_348, %parallel_loop3A_349] {strides = array<i32>} : memref<3x128x128xf32, #tpu.memory_space<vmem>>, vector<1x1x16xf32>,
      %parallel_loop3A_351 = vector.shape_cast %parallel_loop3A_350 : vector<1x1x16xf32> to vector<16xf32>
      %parallel_loop3A_352 = arith.constant 0 : i32
      %parallel_loop3A_353 = arith.index_cast %parallel_loop3A_352 : i32 to index
      %parallel_loop3A_354 = arith.index_cast %parallel_loop3A_261 : i32 to index
      %parallel_loop3A_355 = arith.constant 64 : index
      %parallel_loop3A_356 = tpu.vector_load %arg10[%parallel_loop3A_353, %parallel_loop3A_354, %parallel_loop3A_355] {strides = array<i32>} : memref<3x128x128xf32, #tpu.memory_space<vmem>>, vector<1x1x16xf32>,
      %parallel_loop3A_357 = vector.shape_cast %parallel_loop3A_356 : vector<1x1x16xf32> to vector<16xf32>
      %parallel_loop3A_358 = arith.mulf %parallel_loop3A_281, %parallel_loop3A_357 : vector<16xf32>
      %parallel_loop3A_359 = arith.subf %parallel_loop3A_351, %parallel_loop3A_358 : vector<16xf32>
      %parallel_loop3A_360 = arith.mulf %parallel_loop3A_359, %parallel_loop3A_359 : vector<16xf32>
      %parallel_loop3A_361 = arith.addf %parallel_loop3A_345, %parallel_loop3A_360 : vector<16xf32>
      %parallel_loop3A_362 = arith.constant 0 : i32
      %parallel_loop3A_363 = arith.index_cast %parallel_loop3A_362 : i32 to index
      %parallel_loop3A_364 = arith.index_cast %parallel_loop3A_261 : i32 to index
      %parallel_loop3A_365 = arith.constant 80 : index
      %parallel_loop3A_366 = tpu.vector_load %arg9[%parallel_loop3A_363, %parallel_loop3A_364, %parallel_loop3A_365] {strides = array<i32>} : memref<3x128x128xf32, #tpu.memory_space<vmem>>, vector<1x1x16xf32>,
      %parallel_loop3A_367 = vector.shape_cast %parallel_loop3A_366 : vector<1x1x16xf32> to vector<16xf32>
      %parallel_loop3A_368 = arith.constant 0 : i32
      %parallel_loop3A_369 = arith.index_cast %parallel_loop3A_368 : i32 to index
      %parallel_loop3A_370 = arith.index_cast %parallel_loop3A_261 : i32 to index
      %parallel_loop3A_371 = arith.constant 80 : index
      %parallel_loop3A_372 = tpu.vector_load %arg10[%parallel_loop3A_369, %parallel_loop3A_370, %parallel_loop3A_371] {strides = array<i32>} : memref<3x128x128xf32, #tpu.memory_space<vmem>>, vector<1x1x16xf32>,
      %parallel_loop3A_373 = vector.shape_cast %parallel_loop3A_372 : vector<1x1x16xf32> to vector<16xf32>
      %parallel_loop3A_374 = arith.mulf %parallel_loop3A_281, %parallel_loop3A_373 : vector<16xf32>
      %parallel_loop3A_375 = arith.subf %parallel_loop3A_367, %parallel_loop3A_374 : vector<16xf32>
      %parallel_loop3A_376 = arith.mulf %parallel_loop3A_375, %parallel_loop3A_375 : vector<16xf32>
      %parallel_loop3A_377 = arith.addf %parallel_loop3A_361, %parallel_loop3A_376 : vector<16xf32>
      %parallel_loop3A_378 = arith.constant 0 : i32
      %parallel_loop3A_379 = arith.index_cast %parallel_loop3A_378 : i32 to index
      %parallel_loop3A_380 = arith.index_cast %parallel_loop3A_261 : i32 to index
      %parallel_loop3A_381 = arith.constant 96 : index
      %parallel_loop3A_382 = tpu.vector_load %arg9[%parallel_loop3A_379, %parallel_loop3A_380, %parallel_loop3A_381] {strides = array<i32>} : memref<3x128x128xf32, #tpu.memory_space<vmem>>, vector<1x1x16xf32>,
      %parallel_loop3A_383 = vector.shape_cast %parallel_loop3A_382 : vector<1x1x16xf32> to vector<16xf32>
      %parallel_loop3A_384 = arith.constant 0 : i32
      %parallel_loop3A_385 = arith.index_cast %parallel_loop3A_384 : i32 to index
      %parallel_loop3A_386 = arith.index_cast %parallel_loop3A_261 : i32 to index
      %parallel_loop3A_387 = arith.constant 96 : index
      %parallel_loop3A_388 = tpu.vector_load %arg10[%parallel_loop3A_385, %parallel_loop3A_386, %parallel_loop3A_387] {strides = array<i32>} : memref<3x128x128xf32, #tpu.memory_space<vmem>>, vector<1x1x16xf32>,
      %parallel_loop3A_389 = vector.shape_cast %parallel_loop3A_388 : vector<1x1x16xf32> to vector<16xf32>
      %parallel_loop3A_390 = arith.mulf %parallel_loop3A_281, %parallel_loop3A_389 : vector<16xf32>
      %parallel_loop3A_391 = arith.subf %parallel_loop3A_383, %parallel_loop3A_390 : vector<16xf32>
      %parallel_loop3A_392 = arith.mulf %parallel_loop3A_391, %parallel_loop3A_391 : vector<16xf32>
      %parallel_loop3A_393 = arith.addf %parallel_loop3A_377, %parallel_loop3A_392 : vector<16xf32>
      %parallel_loop3A_394 = arith.constant 0 : i32
      %parallel_loop3A_395 = arith.index_cast %parallel_loop3A_394 : i32 to index
      %parallel_loop3A_396 = arith.index_cast %parallel_loop3A_261 : i32 to index
      %parallel_loop3A_397 = arith.constant 112 : index
      %parallel_loop3A_398 = tpu.vector_load %arg9[%parallel_loop3A_395, %parallel_loop3A_396, %parallel_loop3A_397] {strides = array<i32>} : memref<3x128x128xf32, #tpu.memory_space<vmem>>, vector<1x1x16xf32>,
      %parallel_loop3A_399 = vector.shape_cast %parallel_loop3A_398 : vector<1x1x16xf32> to vector<16xf32>
      %parallel_loop3A_400 = arith.constant 0 : i32
      %parallel_loop3A_401 = arith.index_cast %parallel_loop3A_400 : i32 to index
      %parallel_loop3A_402 = arith.index_cast %parallel_loop3A_261 : i32 to index
      %parallel_loop3A_403 = arith.constant 112 : index
      %parallel_loop3A_404 = tpu.vector_load %arg10[%parallel_loop3A_401, %parallel_loop3A_402, %parallel_loop3A_403] {strides = array<i32>} : memref<3x128x128xf32, #tpu.memory_space<vmem>>, vector<1x1x16xf32>,
      %parallel_loop3A_405 = vector.shape_cast %parallel_loop3A_404 : vector<1x1x16xf32> to vector<16xf32>
      %parallel_loop3A_406 = arith.mulf %parallel_loop3A_281, %parallel_loop3A_405 : vector<16xf32>
      %parallel_loop3A_407 = arith.subf %parallel_loop3A_399, %parallel_loop3A_406 : vector<16xf32>
      %parallel_loop3A_408 = arith.mulf %parallel_loop3A_407, %parallel_loop3A_407 : vector<16xf32>
      %parallel_loop3A_409 = arith.addf %parallel_loop3A_393, %parallel_loop3A_408 : vector<16xf32>
      scf.yield %parallel_loop3A_409 : vector<16xf32>
    } {sc.loop_unroll_factor = 2 : i64, sc.parallel_access}
    %add3A_149 = arith.constant 384 : i32
    %add3A_150 = arith.addi %mul3A_2, %add3A_149 : i32
    %dma_start3A_151 = arith.constant 0 : i32
    %dma_start3A_152 = arith.constant 0 : i32
    %dma_start3A_153 = arith.constant 0 : i32
    %dma_start3A_154 = tpu.memref_slice %arg9[%dma_start3A_151, %dma_start3A_152, %dma_start3A_153] : memref<3x128x128xf32, #tpu.memory_space<vmem>> -> memref<1x128x128xf32, #tpu.memory_space<vmem>>
    %dma_start3A_155 = tpu.memref_squeeze %dma_start3A_154 : memref<1x128x128xf32, #tpu.memory_space<vmem>> -> memref<128x128xf32, #tpu.memory_space<vmem>>
    %dma_start3A_156 = arith.constant 0 : i32
    %dma_start3A_157 = tpu.memref_slice %arg2[%add3A_150, %dma_start3A_156] : memref<16384x128xf32, #tpu.memory_space<hbm>> -> memref<128x128xf32, #tpu.memory_space<hbm>>
    %dma_start3A_158 = arith.constant 0 : i32
    %dma_start3A_159 = arith.constant 0 : i32
    %dma_start3A_160 = tpu.memref_slice %arg9[%dma_start3A_151, %dma_start3A_158, %dma_start3A_159] : memref<3x128x128xf32, #tpu.memory_space<vmem>> -> memref<1x128x128xf32, #tpu.memory_space<vmem>>
    %dma_start3A_161 = tpu.memref_squeeze %dma_start3A_160 : memref<1x128x128xf32, #tpu.memory_space<vmem>> -> memref<128x128xf32, #tpu.memory_space<vmem>>
    %dma_start3A_162 = arith.constant 0 : i32
    %dma_start3A_163 = tpu.memref_slice %arg2[%add3A_150, %dma_start3A_162] : memref<16384x128xf32, #tpu.memory_space<hbm>> -> memref<128x128xf32, #tpu.memory_space<hbm>>
    tpu.enqueue_dma source(%dma_start3A_163 : memref<128x128xf32, #tpu.memory_space<hbm>>) target(%dma_start3A_161 : memref<128x128xf32, #tpu.memory_space<vmem>>) target_semaphore(%arg13 : memref<!tpu.dma_semaphore, #tpu.memory_space<semaphore_mem>>)
    %dma_start3A_164 = arith.constant 0 : i32
    %dma_start3A_165 = arith.constant 0 : i32
    %dma_start3A_166 = arith.constant 0 : i32
    %dma_start3A_167 = tpu.memref_slice %arg10[%dma_start3A_164, %dma_start3A_165, %dma_start3A_166] : memref<3x128x128xf32, #tpu.memory_space<vmem>> -> memref<1x128x128xf32, #tpu.memory_space<vmem>>
    %dma_start3A_168 = tpu.memref_squeeze %dma_start3A_167 : memref<1x128x128xf32, #tpu.memory_space<vmem>> -> memref<128x128xf32, #tpu.memory_space<vmem>>
    %dma_start3A_169 = arith.constant 384 : i32
    %dma_start3A_170 = tpu.memref_slice %arg7[%dma_start3A_169] : memref<512xi32, #tpu.memory_space<vmem>> -> memref<128xi32, #tpu.memory_space<vmem>>
    %dma_start3A_171 = arith.constant 0 : i32
    %dma_start3A_172 = arith.constant 0 : i32
    %dma_start3A_173 = tpu.memref_slice %arg4[%dma_start3A_171, %dma_start3A_172] : memref<100000x128xf32, #tpu.memory_space<hbm>> -> memref<100000x128xf32, #tpu.memory_space<hbm>>
    tpu.enqueue_indirect_dma source(%dma_start3A_173 : memref<100000x128xf32, #tpu.memory_space<hbm>>) target(%dma_start3A_168 : memref<128x128xf32, #tpu.memory_space<vmem>>) offsets(%dma_start3A_170 : memref<128xi32, #tpu.memory_space<vmem>>) semaphore(%arg16 : memref<!tpu.dma_semaphore, #tpu.memory_space<semaphore_mem>>)
    %dma_wait3A_174 = arith.constant 1 : i32
    %dma_wait3A_175 = arith.constant 0 : i32
    %dma_wait3A_176 = arith.constant 0 : i32
    %dma_wait3A_177 = tpu.memref_slice %arg9[%dma_wait3A_174, %dma_wait3A_175, %dma_wait3A_176] : memref<3x128x128xf32, #tpu.memory_space<vmem>> -> memref<1x128x128xf32, #tpu.memory_space<vmem>>
    %dma_wait3A_178 = tpu.memref_squeeze %dma_wait3A_177 : memref<1x128x128xf32, #tpu.memory_space<vmem>> -> memref<128x128xf32, #tpu.memory_space<vmem>>
    %dma_wait3A_179 = arith.constant 0 : i32
    %dma_wait3A_180 = tpu.memref_slice %arg2[%add3A_50, %dma_wait3A_179] : memref<16384x128xf32, #tpu.memory_space<hbm>> -> memref<128x128xf32, #tpu.memory_space<hbm>>
    %dma_wait3A_181 = arith.constant 0 : i32
    %dma_wait3A_182 = arith.constant 0 : i32
    %dma_wait3A_183 = tpu.memref_slice %arg9[%dma_wait3A_174, %dma_wait3A_181, %dma_wait3A_182] : memref<3x128x128xf32, #tpu.memory_space<vmem>> -> memref<1x128x128xf32, #tpu.memory_space<vmem>>
    %dma_wait3A_184 = tpu.memref_squeeze %dma_wait3A_183 : memref<1x128x128xf32, #tpu.memory_space<vmem>> -> memref<128x128xf32, #tpu.memory_space<vmem>>
    %dma_wait3A_185 = arith.constant 0 : i32
    %dma_wait3A_186 = tpu.memref_slice %arg2[%add3A_50, %dma_wait3A_185] : memref<16384x128xf32, #tpu.memory_space<hbm>> -> memref<128x128xf32, #tpu.memory_space<hbm>>
    tpu.wait_dma2 semaphore(%arg14 : memref<!tpu.dma_semaphore, #tpu.memory_space<semaphore_mem>>) src(%dma_wait3A_186 : memref<128x128xf32, #tpu.memory_space<hbm>>) dst(%dma_wait3A_184 : memref<128x128xf32, #tpu.memory_space<vmem>>)
    %dma_wait3A_187 = arith.constant 1 : i32
    %dma_wait3A_188 = arith.constant 0 : i32
    %dma_wait3A_189 = arith.constant 0 : i32
    %dma_wait3A_190 = tpu.memref_slice %arg10[%dma_wait3A_187, %dma_wait3A_188, %dma_wait3A_189] : memref<3x128x128xf32, #tpu.memory_space<vmem>> -> memref<1x128x128xf32, #tpu.memory_space<vmem>>
    %dma_wait3A_191 = tpu.memref_squeeze %dma_wait3A_190 : memref<1x128x128xf32, #tpu.memory_space<vmem>> -> memref<128x128xf32, #tpu.memory_space<vmem>>
    %dma_wait3A_192 = arith.constant 128 : i32
    %dma_wait3A_193 = tpu.memref_slice %arg7[%dma_wait3A_192] : memref<512xi32, #tpu.memory_space<vmem>> -> memref<128xi32, #tpu.memory_space<vmem>>
    %dma_wait3A_194 = arith.constant 0 : i32
    %dma_wait3A_195 = arith.constant 0 : i32
    %dma_wait3A_196 = tpu.memref_slice %arg4[%dma_wait3A_194, %dma_wait3A_195] : memref<100000x128xf32, #tpu.memory_space<hbm>> -> memref<100000x128xf32, #tpu.memory_space<hbm>>
    tpu.wait_indirect_dma semaphore(%arg17 : memref<!tpu.dma_semaphore, #tpu.memory_space<semaphore_mem>>) src(%dma_wait3A_196 : memref<100000x128xf32, #tpu.memory_space<hbm>>) dst(%dma_wait3A_191 : memref<128x128xf32, #tpu.memory_space<vmem>>)
    %parallel_loop3A_197 = arith.constant 0 : i32
    %parallel_loop3A_198 = arith.constant 128 : i32
    %parallel_loop3A_199 = arith.constant 1 : i32
    %parallel_loop3A_200 = scf.for %parallel_loop3A_261 = %parallel_loop3A_197 to %parallel_loop3A_198 step %parallel_loop3A_199 iter_args(%parallel_loop3A_262 = %parallel_loop3A_148) -> (vector<16xf32>)  : i32 {
      %parallel_loop3A_263 = arith.constant 15 : i32
      %parallel_loop3A_264 = arith.andi %parallel_loop3A_261, %parallel_loop3A_263 : i32
      %parallel_loop3A_265 = arith.subi %parallel_loop3A_261, %parallel_loop3A_264 : i32
      %parallel_loop3A_266 = arith.constant 128 : i32
      %parallel_loop3A_267 = arith.addi %parallel_loop3A_266, %parallel_loop3A_265 : i32
      %parallel_loop3A_268 = arith.index_cast %parallel_loop3A_267 : i32 to index
      %parallel_loop3A_269 = tpu.vector_load %arg8[%parallel_loop3A_268] {strides = array<i32>} : memref<512xf32, #tpu.memory_space<vmem>>, vector<16xf32>,
      %parallel_loop3A_270 = vector.shape_cast %parallel_loop3A_269 : vector<16xf32> to vector<16xf32>
      %parallel_loop3A_271 = vector.broadcast %parallel_loop3A_264 : i32 to vector<16xi32>
      %parallel_loop3A_272 = arith.constant 0 : i32
      %parallel_loop3A_273 = vector.broadcast %parallel_loop3A_272 : i32 to vector<16xi32>
      %parallel_loop3A_274 = arith.cmpi slt, %parallel_loop3A_271, %parallel_loop3A_273 : vector<16xi32>
      %parallel_loop3A_275 = arith.constant 16 : i32
      %parallel_loop3A_276 = vector.broadcast %parallel_loop3A_275 : i32 to vector<16xi32>
      %parallel_loop3A_277 = arith.addi %parallel_loop3A_271, %parallel_loop3A_276 : vector<16xi32>
      %parallel_loop3A_278 = arith.select %parallel_loop3A_274, %parallel_loop3A_277, %parallel_loop3A_271 : vector<16xi1>, vector<16xi32>
      %parallel_loop3A_279 = vector.shape_cast %parallel_loop3A_278 : vector<16xi32> to vector<16x1xi32>
      %parallel_loop3A_280 = vector.shape_cast %parallel_loop3A_279 : vector<16x1xi32> to vector<16xi32>
      %parallel_loop3A_281 = tpu.dynamic_gather %parallel_loop3A_270[%parallel_loop3A_280] in [0] : vector<16xf32>, vector<16xi32> -> vector<16xf32>
      %parallel_loop3A_282 = arith.constant 1 : i32
      %parallel_loop3A_283 = arith.index_cast %parallel_loop3A_282 : i32 to index
      %parallel_loop3A_284 = arith.index_cast %parallel_loop3A_261 : i32 to index
      %parallel_loop3A_285 = arith.constant 0 : index
      %parallel_loop3A_286 = tpu.vector_load %arg9[%parallel_loop3A_283, %parallel_loop3A_284, %parallel_loop3A_285] {strides = array<i32>} : memref<3x128x128xf32, #tpu.memory_space<vmem>>, vector<1x1x16xf32>,
      %parallel_loop3A_287 = vector.shape_cast %parallel_loop3A_286 : vector<1x1x16xf32> to vector<16xf32>
      %parallel_loop3A_288 = arith.constant 1 : i32
      %parallel_loop3A_289 = arith.index_cast %parallel_loop3A_288 : i32 to index
      %parallel_loop3A_290 = arith.index_cast %parallel_loop3A_261 : i32 to index
      %parallel_loop3A_291 = arith.constant 0 : index
      %parallel_loop3A_292 = tpu.vector_load %arg10[%parallel_loop3A_289, %parallel_loop3A_290, %parallel_loop3A_291] {strides = array<i32>} : memref<3x128x128xf32, #tpu.memory_space<vmem>>, vector<1x1x16xf32>,
      %parallel_loop3A_293 = vector.shape_cast %parallel_loop3A_292 : vector<1x1x16xf32> to vector<16xf32>
      %parallel_loop3A_294 = arith.mulf %parallel_loop3A_281, %parallel_loop3A_293 : vector<16xf32>
      %parallel_loop3A_295 = arith.subf %parallel_loop3A_287, %parallel_loop3A_294 : vector<16xf32>
      %parallel_loop3A_296 = arith.mulf %parallel_loop3A_295, %parallel_loop3A_295 : vector<16xf32>
      %parallel_loop3A_297 = arith.addf %parallel_loop3A_262, %parallel_loop3A_296 : vector<16xf32>
      %parallel_loop3A_298 = arith.constant 1 : i32
      %parallel_loop3A_299 = arith.index_cast %parallel_loop3A_298 : i32 to index
      %parallel_loop3A_300 = arith.index_cast %parallel_loop3A_261 : i32 to index
      %parallel_loop3A_301 = arith.constant 16 : index
      %parallel_loop3A_302 = tpu.vector_load %arg9[%parallel_loop3A_299, %parallel_loop3A_300, %parallel_loop3A_301] {strides = array<i32>} : memref<3x128x128xf32, #tpu.memory_space<vmem>>, vector<1x1x16xf32>,
      %parallel_loop3A_303 = vector.shape_cast %parallel_loop3A_302 : vector<1x1x16xf32> to vector<16xf32>
      %parallel_loop3A_304 = arith.constant 1 : i32
      %parallel_loop3A_305 = arith.index_cast %parallel_loop3A_304 : i32 to index
      %parallel_loop3A_306 = arith.index_cast %parallel_loop3A_261 : i32 to index
      %parallel_loop3A_307 = arith.constant 16 : index
      %parallel_loop3A_308 = tpu.vector_load %arg10[%parallel_loop3A_305, %parallel_loop3A_306, %parallel_loop3A_307] {strides = array<i32>} : memref<3x128x128xf32, #tpu.memory_space<vmem>>, vector<1x1x16xf32>,
      %parallel_loop3A_309 = vector.shape_cast %parallel_loop3A_308 : vector<1x1x16xf32> to vector<16xf32>
      %parallel_loop3A_310 = arith.mulf %parallel_loop3A_281, %parallel_loop3A_309 : vector<16xf32>
      %parallel_loop3A_311 = arith.subf %parallel_loop3A_303, %parallel_loop3A_310 : vector<16xf32>
      %parallel_loop3A_312 = arith.mulf %parallel_loop3A_311, %parallel_loop3A_311 : vector<16xf32>
      %parallel_loop3A_313 = arith.addf %parallel_loop3A_297, %parallel_loop3A_312 : vector<16xf32>
      %parallel_loop3A_314 = arith.constant 1 : i32
      %parallel_loop3A_315 = arith.index_cast %parallel_loop3A_314 : i32 to index
      %parallel_loop3A_316 = arith.index_cast %parallel_loop3A_261 : i32 to index
      %parallel_loop3A_317 = arith.constant 32 : index
      %parallel_loop3A_318 = tpu.vector_load %arg9[%parallel_loop3A_315, %parallel_loop3A_316, %parallel_loop3A_317] {strides = array<i32>} : memref<3x128x128xf32, #tpu.memory_space<vmem>>, vector<1x1x16xf32>,
      %parallel_loop3A_319 = vector.shape_cast %parallel_loop3A_318 : vector<1x1x16xf32> to vector<16xf32>
      %parallel_loop3A_320 = arith.constant 1 : i32
      %parallel_loop3A_321 = arith.index_cast %parallel_loop3A_320 : i32 to index
      %parallel_loop3A_322 = arith.index_cast %parallel_loop3A_261 : i32 to index
      %parallel_loop3A_323 = arith.constant 32 : index
      %parallel_loop3A_324 = tpu.vector_load %arg10[%parallel_loop3A_321, %parallel_loop3A_322, %parallel_loop3A_323] {strides = array<i32>} : memref<3x128x128xf32, #tpu.memory_space<vmem>>, vector<1x1x16xf32>,
      %parallel_loop3A_325 = vector.shape_cast %parallel_loop3A_324 : vector<1x1x16xf32> to vector<16xf32>
      %parallel_loop3A_326 = arith.mulf %parallel_loop3A_281, %parallel_loop3A_325 : vector<16xf32>
      %parallel_loop3A_327 = arith.subf %parallel_loop3A_319, %parallel_loop3A_326 : vector<16xf32>
      %parallel_loop3A_328 = arith.mulf %parallel_loop3A_327, %parallel_loop3A_327 : vector<16xf32>
      %parallel_loop3A_329 = arith.addf %parallel_loop3A_313, %parallel_loop3A_328 : vector<16xf32>
      %parallel_loop3A_330 = arith.constant 1 : i32
      %parallel_loop3A_331 = arith.index_cast %parallel_loop3A_330 : i32 to index
      %parallel_loop3A_332 = arith.index_cast %parallel_loop3A_261 : i32 to index
      %parallel_loop3A_333 = arith.constant 48 : index
      %parallel_loop3A_334 = tpu.vector_load %arg9[%parallel_loop3A_331, %parallel_loop3A_332, %parallel_loop3A_333] {strides = array<i32>} : memref<3x128x128xf32, #tpu.memory_space<vmem>>, vector<1x1x16xf32>,
      %parallel_loop3A_335 = vector.shape_cast %parallel_loop3A_334 : vector<1x1x16xf32> to vector<16xf32>
      %parallel_loop3A_336 = arith.constant 1 : i32
      %parallel_loop3A_337 = arith.index_cast %parallel_loop3A_336 : i32 to index
      %parallel_loop3A_338 = arith.index_cast %parallel_loop3A_261 : i32 to index
      %parallel_loop3A_339 = arith.constant 48 : index
      %parallel_loop3A_340 = tpu.vector_load %arg10[%parallel_loop3A_337, %parallel_loop3A_338, %parallel_loop3A_339] {strides = array<i32>} : memref<3x128x128xf32, #tpu.memory_space<vmem>>, vector<1x1x16xf32>,
      %parallel_loop3A_341 = vector.shape_cast %parallel_loop3A_340 : vector<1x1x16xf32> to vector<16xf32>
      %parallel_loop3A_342 = arith.mulf %parallel_loop3A_281, %parallel_loop3A_341 : vector<16xf32>
      %parallel_loop3A_343 = arith.subf %parallel_loop3A_335, %parallel_loop3A_342 : vector<16xf32>
      %parallel_loop3A_344 = arith.mulf %parallel_loop3A_343, %parallel_loop3A_343 : vector<16xf32>
      %parallel_loop3A_345 = arith.addf %parallel_loop3A_329, %parallel_loop3A_344 : vector<16xf32>
      %parallel_loop3A_346 = arith.constant 1 : i32
      %parallel_loop3A_347 = arith.index_cast %parallel_loop3A_346 : i32 to index
      %parallel_loop3A_348 = arith.index_cast %parallel_loop3A_261 : i32 to index
      %parallel_loop3A_349 = arith.constant 64 : index
      %parallel_loop3A_350 = tpu.vector_load %arg9[%parallel_loop3A_347, %parallel_loop3A_348, %parallel_loop3A_349] {strides = array<i32>} : memref<3x128x128xf32, #tpu.memory_space<vmem>>, vector<1x1x16xf32>,
      %parallel_loop3A_351 = vector.shape_cast %parallel_loop3A_350 : vector<1x1x16xf32> to vector<16xf32>
      %parallel_loop3A_352 = arith.constant 1 : i32
      %parallel_loop3A_353 = arith.index_cast %parallel_loop3A_352 : i32 to index
      %parallel_loop3A_354 = arith.index_cast %parallel_loop3A_261 : i32 to index
      %parallel_loop3A_355 = arith.constant 64 : index
      %parallel_loop3A_356 = tpu.vector_load %arg10[%parallel_loop3A_353, %parallel_loop3A_354, %parallel_loop3A_355] {strides = array<i32>} : memref<3x128x128xf32, #tpu.memory_space<vmem>>, vector<1x1x16xf32>,
      %parallel_loop3A_357 = vector.shape_cast %parallel_loop3A_356 : vector<1x1x16xf32> to vector<16xf32>
      %parallel_loop3A_358 = arith.mulf %parallel_loop3A_281, %parallel_loop3A_357 : vector<16xf32>
      %parallel_loop3A_359 = arith.subf %parallel_loop3A_351, %parallel_loop3A_358 : vector<16xf32>
      %parallel_loop3A_360 = arith.mulf %parallel_loop3A_359, %parallel_loop3A_359 : vector<16xf32>
      %parallel_loop3A_361 = arith.addf %parallel_loop3A_345, %parallel_loop3A_360 : vector<16xf32>
      %parallel_loop3A_362 = arith.constant 1 : i32
      %parallel_loop3A_363 = arith.index_cast %parallel_loop3A_362 : i32 to index
      %parallel_loop3A_364 = arith.index_cast %parallel_loop3A_261 : i32 to index
      %parallel_loop3A_365 = arith.constant 80 : index
      %parallel_loop3A_366 = tpu.vector_load %arg9[%parallel_loop3A_363, %parallel_loop3A_364, %parallel_loop3A_365] {strides = array<i32>} : memref<3x128x128xf32, #tpu.memory_space<vmem>>, vector<1x1x16xf32>,
      %parallel_loop3A_367 = vector.shape_cast %parallel_loop3A_366 : vector<1x1x16xf32> to vector<16xf32>
      %parallel_loop3A_368 = arith.constant 1 : i32
      %parallel_loop3A_369 = arith.index_cast %parallel_loop3A_368 : i32 to index
      %parallel_loop3A_370 = arith.index_cast %parallel_loop3A_261 : i32 to index
      %parallel_loop3A_371 = arith.constant 80 : index
      %parallel_loop3A_372 = tpu.vector_load %arg10[%parallel_loop3A_369, %parallel_loop3A_370, %parallel_loop3A_371] {strides = array<i32>} : memref<3x128x128xf32, #tpu.memory_space<vmem>>, vector<1x1x16xf32>,
      %parallel_loop3A_373 = vector.shape_cast %parallel_loop3A_372 : vector<1x1x16xf32> to vector<16xf32>
      %parallel_loop3A_374 = arith.mulf %parallel_loop3A_281, %parallel_loop3A_373 : vector<16xf32>
      %parallel_loop3A_375 = arith.subf %parallel_loop3A_367, %parallel_loop3A_374 : vector<16xf32>
      %parallel_loop3A_376 = arith.mulf %parallel_loop3A_375, %parallel_loop3A_375 : vector<16xf32>
      %parallel_loop3A_377 = arith.addf %parallel_loop3A_361, %parallel_loop3A_376 : vector<16xf32>
      %parallel_loop3A_378 = arith.constant 1 : i32
      %parallel_loop3A_379 = arith.index_cast %parallel_loop3A_378 : i32 to index
      %parallel_loop3A_380 = arith.index_cast %parallel_loop3A_261 : i32 to index
      %parallel_loop3A_381 = arith.constant 96 : index
      %parallel_loop3A_382 = tpu.vector_load %arg9[%parallel_loop3A_379, %parallel_loop3A_380, %parallel_loop3A_381] {strides = array<i32>} : memref<3x128x128xf32, #tpu.memory_space<vmem>>, vector<1x1x16xf32>,
      %parallel_loop3A_383 = vector.shape_cast %parallel_loop3A_382 : vector<1x1x16xf32> to vector<16xf32>
      %parallel_loop3A_384 = arith.constant 1 : i32
      %parallel_loop3A_385 = arith.index_cast %parallel_loop3A_384 : i32 to index
      %parallel_loop3A_386 = arith.index_cast %parallel_loop3A_261 : i32 to index
      %parallel_loop3A_387 = arith.constant 96 : index
      %parallel_loop3A_388 = tpu.vector_load %arg10[%parallel_loop3A_385, %parallel_loop3A_386, %parallel_loop3A_387] {strides = array<i32>} : memref<3x128x128xf32, #tpu.memory_space<vmem>>, vector<1x1x16xf32>,
      %parallel_loop3A_389 = vector.shape_cast %parallel_loop3A_388 : vector<1x1x16xf32> to vector<16xf32>
      %parallel_loop3A_390 = arith.mulf %parallel_loop3A_281, %parallel_loop3A_389 : vector<16xf32>
      %parallel_loop3A_391 = arith.subf %parallel_loop3A_383, %parallel_loop3A_390 : vector<16xf32>
      %parallel_loop3A_392 = arith.mulf %parallel_loop3A_391, %parallel_loop3A_391 : vector<16xf32>
      %parallel_loop3A_393 = arith.addf %parallel_loop3A_377, %parallel_loop3A_392 : vector<16xf32>
      %parallel_loop3A_394 = arith.constant 1 : i32
      %parallel_loop3A_395 = arith.index_cast %parallel_loop3A_394 : i32 to index
      %parallel_loop3A_396 = arith.index_cast %parallel_loop3A_261 : i32 to index
      %parallel_loop3A_397 = arith.constant 112 : index
      %parallel_loop3A_398 = tpu.vector_load %arg9[%parallel_loop3A_395, %parallel_loop3A_396, %parallel_loop3A_397] {strides = array<i32>} : memref<3x128x128xf32, #tpu.memory_space<vmem>>, vector<1x1x16xf32>,
      %parallel_loop3A_399 = vector.shape_cast %parallel_loop3A_398 : vector<1x1x16xf32> to vector<16xf32>
      %parallel_loop3A_400 = arith.constant 1 : i32
      %parallel_loop3A_401 = arith.index_cast %parallel_loop3A_400 : i32 to index
      %parallel_loop3A_402 = arith.index_cast %parallel_loop3A_261 : i32 to index
      %parallel_loop3A_403 = arith.constant 112 : index
      %parallel_loop3A_404 = tpu.vector_load %arg10[%parallel_loop3A_401, %parallel_loop3A_402, %parallel_loop3A_403] {strides = array<i32>} : memref<3x128x128xf32, #tpu.memory_space<vmem>>, vector<1x1x16xf32>,
      %parallel_loop3A_405 = vector.shape_cast %parallel_loop3A_404 : vector<1x1x16xf32> to vector<16xf32>
      %parallel_loop3A_406 = arith.mulf %parallel_loop3A_281, %parallel_loop3A_405 : vector<16xf32>
      %parallel_loop3A_407 = arith.subf %parallel_loop3A_399, %parallel_loop3A_406 : vector<16xf32>
      %parallel_loop3A_408 = arith.mulf %parallel_loop3A_407, %parallel_loop3A_407 : vector<16xf32>
      %parallel_loop3A_409 = arith.addf %parallel_loop3A_393, %parallel_loop3A_408 : vector<16xf32>
      scf.yield %parallel_loop3A_409 : vector<16xf32>
    } {sc.loop_unroll_factor = 2 : i64, sc.parallel_access}
    %dma_wait3A_201 = arith.constant 2 : i32
    %dma_wait3A_202 = arith.constant 0 : i32
    %dma_wait3A_203 = arith.constant 0 : i32
    %dma_wait3A_204 = tpu.memref_slice %arg9[%dma_wait3A_201, %dma_wait3A_202, %dma_wait3A_203] : memref<3x128x128xf32, #tpu.memory_space<vmem>> -> memref<1x128x128xf32, #tpu.memory_space<vmem>>
    %dma_wait3A_205 = tpu.memref_squeeze %dma_wait3A_204 : memref<1x128x128xf32, #tpu.memory_space<vmem>> -> memref<128x128xf32, #tpu.memory_space<vmem>>
    %dma_wait3A_206 = arith.constant 0 : i32
    %dma_wait3A_207 = tpu.memref_slice %arg2[%add3A_99, %dma_wait3A_206] : memref<16384x128xf32, #tpu.memory_space<hbm>> -> memref<128x128xf32, #tpu.memory_space<hbm>>
    %dma_wait3A_208 = arith.constant 0 : i32
    %dma_wait3A_209 = arith.constant 0 : i32
    %dma_wait3A_210 = tpu.memref_slice %arg9[%dma_wait3A_201, %dma_wait3A_208, %dma_wait3A_209] : memref<3x128x128xf32, #tpu.memory_space<vmem>> -> memref<1x128x128xf32, #tpu.memory_space<vmem>>
    %dma_wait3A_211 = tpu.memref_squeeze %dma_wait3A_210 : memref<1x128x128xf32, #tpu.memory_space<vmem>> -> memref<128x128xf32, #tpu.memory_space<vmem>>
    %dma_wait3A_212 = arith.constant 0 : i32
    %dma_wait3A_213 = tpu.memref_slice %arg2[%add3A_99, %dma_wait3A_212] : memref<16384x128xf32, #tpu.memory_space<hbm>> -> memref<128x128xf32, #tpu.memory_space<hbm>>
    tpu.wait_dma2 semaphore(%arg15 : memref<!tpu.dma_semaphore, #tpu.memory_space<semaphore_mem>>) src(%dma_wait3A_213 : memref<128x128xf32, #tpu.memory_space<hbm>>) dst(%dma_wait3A_211 : memref<128x128xf32, #tpu.memory_space<vmem>>)
    %dma_wait3A_214 = arith.constant 2 : i32
    %dma_wait3A_215 = arith.constant 0 : i32
    %dma_wait3A_216 = arith.constant 0 : i32
    %dma_wait3A_217 = tpu.memref_slice %arg10[%dma_wait3A_214, %dma_wait3A_215, %dma_wait3A_216] : memref<3x128x128xf32, #tpu.memory_space<vmem>> -> memref<1x128x128xf32, #tpu.memory_space<vmem>>
    %dma_wait3A_218 = tpu.memref_squeeze %dma_wait3A_217 : memref<1x128x128xf32, #tpu.memory_space<vmem>> -> memref<128x128xf32, #tpu.memory_space<vmem>>
    %dma_wait3A_219 = arith.constant 256 : i32
    %dma_wait3A_220 = tpu.memref_slice %arg7[%dma_wait3A_219] : memref<512xi32, #tpu.memory_space<vmem>> -> memref<128xi32, #tpu.memory_space<vmem>>
    %dma_wait3A_221 = arith.constant 0 : i32
    %dma_wait3A_222 = arith.constant 0 : i32
    %dma_wait3A_223 = tpu.memref_slice %arg4[%dma_wait3A_221, %dma_wait3A_222] : memref<100000x128xf32, #tpu.memory_space<hbm>> -> memref<100000x128xf32, #tpu.memory_space<hbm>>
    tpu.wait_indirect_dma semaphore(%arg18 : memref<!tpu.dma_semaphore, #tpu.memory_space<semaphore_mem>>) src(%dma_wait3A_223 : memref<100000x128xf32, #tpu.memory_space<hbm>>) dst(%dma_wait3A_218 : memref<128x128xf32, #tpu.memory_space<vmem>>)
    %parallel_loop3A_224 = arith.constant 0 : i32
    %parallel_loop3A_225 = arith.constant 128 : i32
    %parallel_loop3A_226 = arith.constant 1 : i32
    %parallel_loop3A_227 = scf.for %parallel_loop3A_261 = %parallel_loop3A_224 to %parallel_loop3A_225 step %parallel_loop3A_226 iter_args(%parallel_loop3A_262 = %parallel_loop3A_200) -> (vector<16xf32>)  : i32 {
      %parallel_loop3A_263 = arith.constant 15 : i32
      %parallel_loop3A_264 = arith.andi %parallel_loop3A_261, %parallel_loop3A_263 : i32
      %parallel_loop3A_265 = arith.subi %parallel_loop3A_261, %parallel_loop3A_264 : i32
      %parallel_loop3A_266 = arith.constant 256 : i32
      %parallel_loop3A_267 = arith.addi %parallel_loop3A_266, %parallel_loop3A_265 : i32
      %parallel_loop3A_268 = arith.index_cast %parallel_loop3A_267 : i32 to index
      %parallel_loop3A_269 = tpu.vector_load %arg8[%parallel_loop3A_268] {strides = array<i32>} : memref<512xf32, #tpu.memory_space<vmem>>, vector<16xf32>,
      %parallel_loop3A_270 = vector.shape_cast %parallel_loop3A_269 : vector<16xf32> to vector<16xf32>
      %parallel_loop3A_271 = vector.broadcast %parallel_loop3A_264 : i32 to vector<16xi32>
      %parallel_loop3A_272 = arith.constant 0 : i32
      %parallel_loop3A_273 = vector.broadcast %parallel_loop3A_272 : i32 to vector<16xi32>
      %parallel_loop3A_274 = arith.cmpi slt, %parallel_loop3A_271, %parallel_loop3A_273 : vector<16xi32>
      %parallel_loop3A_275 = arith.constant 16 : i32
      %parallel_loop3A_276 = vector.broadcast %parallel_loop3A_275 : i32 to vector<16xi32>
      %parallel_loop3A_277 = arith.addi %parallel_loop3A_271, %parallel_loop3A_276 : vector<16xi32>
      %parallel_loop3A_278 = arith.select %parallel_loop3A_274, %parallel_loop3A_277, %parallel_loop3A_271 : vector<16xi1>, vector<16xi32>
      %parallel_loop3A_279 = vector.shape_cast %parallel_loop3A_278 : vector<16xi32> to vector<16x1xi32>
      %parallel_loop3A_280 = vector.shape_cast %parallel_loop3A_279 : vector<16x1xi32> to vector<16xi32>
      %parallel_loop3A_281 = tpu.dynamic_gather %parallel_loop3A_270[%parallel_loop3A_280] in [0] : vector<16xf32>, vector<16xi32> -> vector<16xf32>
      %parallel_loop3A_282 = arith.constant 2 : i32
      %parallel_loop3A_283 = arith.index_cast %parallel_loop3A_282 : i32 to index
      %parallel_loop3A_284 = arith.index_cast %parallel_loop3A_261 : i32 to index
      %parallel_loop3A_285 = arith.constant 0 : index
      %parallel_loop3A_286 = tpu.vector_load %arg9[%parallel_loop3A_283, %parallel_loop3A_284, %parallel_loop3A_285] {strides = array<i32>} : memref<3x128x128xf32, #tpu.memory_space<vmem>>, vector<1x1x16xf32>,
      %parallel_loop3A_287 = vector.shape_cast %parallel_loop3A_286 : vector<1x1x16xf32> to vector<16xf32>
      %parallel_loop3A_288 = arith.constant 2 : i32
      %parallel_loop3A_289 = arith.index_cast %parallel_loop3A_288 : i32 to index
      %parallel_loop3A_290 = arith.index_cast %parallel_loop3A_261 : i32 to index
      %parallel_loop3A_291 = arith.constant 0 : index
      %parallel_loop3A_292 = tpu.vector_load %arg10[%parallel_loop3A_289, %parallel_loop3A_290, %parallel_loop3A_291] {strides = array<i32>} : memref<3x128x128xf32, #tpu.memory_space<vmem>>, vector<1x1x16xf32>,
      %parallel_loop3A_293 = vector.shape_cast %parallel_loop3A_292 : vector<1x1x16xf32> to vector<16xf32>
      %parallel_loop3A_294 = arith.mulf %parallel_loop3A_281, %parallel_loop3A_293 : vector<16xf32>
      %parallel_loop3A_295 = arith.subf %parallel_loop3A_287, %parallel_loop3A_294 : vector<16xf32>
      %parallel_loop3A_296 = arith.mulf %parallel_loop3A_295, %parallel_loop3A_295 : vector<16xf32>
      %parallel_loop3A_297 = arith.addf %parallel_loop3A_262, %parallel_loop3A_296 : vector<16xf32>
      %parallel_loop3A_298 = arith.constant 2 : i32
      %parallel_loop3A_299 = arith.index_cast %parallel_loop3A_298 : i32 to index
      %parallel_loop3A_300 = arith.index_cast %parallel_loop3A_261 : i32 to index
      %parallel_loop3A_301 = arith.constant 16 : index
      %parallel_loop3A_302 = tpu.vector_load %arg9[%parallel_loop3A_299, %parallel_loop3A_300, %parallel_loop3A_301] {strides = array<i32>} : memref<3x128x128xf32, #tpu.memory_space<vmem>>, vector<1x1x16xf32>,
      %parallel_loop3A_303 = vector.shape_cast %parallel_loop3A_302 : vector<1x1x16xf32> to vector<16xf32>
      %parallel_loop3A_304 = arith.constant 2 : i32
      %parallel_loop3A_305 = arith.index_cast %parallel_loop3A_304 : i32 to index
      %parallel_loop3A_306 = arith.index_cast %parallel_loop3A_261 : i32 to index
      %parallel_loop3A_307 = arith.constant 16 : index
      %parallel_loop3A_308 = tpu.vector_load %arg10[%parallel_loop3A_305, %parallel_loop3A_306, %parallel_loop3A_307] {strides = array<i32>} : memref<3x128x128xf32, #tpu.memory_space<vmem>>, vector<1x1x16xf32>,
      %parallel_loop3A_309 = vector.shape_cast %parallel_loop3A_308 : vector<1x1x16xf32> to vector<16xf32>
      %parallel_loop3A_310 = arith.mulf %parallel_loop3A_281, %parallel_loop3A_309 : vector<16xf32>
      %parallel_loop3A_311 = arith.subf %parallel_loop3A_303, %parallel_loop3A_310 : vector<16xf32>
      %parallel_loop3A_312 = arith.mulf %parallel_loop3A_311, %parallel_loop3A_311 : vector<16xf32>
      %parallel_loop3A_313 = arith.addf %parallel_loop3A_297, %parallel_loop3A_312 : vector<16xf32>
      %parallel_loop3A_314 = arith.constant 2 : i32
      %parallel_loop3A_315 = arith.index_cast %parallel_loop3A_314 : i32 to index
      %parallel_loop3A_316 = arith.index_cast %parallel_loop3A_261 : i32 to index
      %parallel_loop3A_317 = arith.constant 32 : index
      %parallel_loop3A_318 = tpu.vector_load %arg9[%parallel_loop3A_315, %parallel_loop3A_316, %parallel_loop3A_317] {strides = array<i32>} : memref<3x128x128xf32, #tpu.memory_space<vmem>>, vector<1x1x16xf32>,
      %parallel_loop3A_319 = vector.shape_cast %parallel_loop3A_318 : vector<1x1x16xf32> to vector<16xf32>
      %parallel_loop3A_320 = arith.constant 2 : i32
      %parallel_loop3A_321 = arith.index_cast %parallel_loop3A_320 : i32 to index
      %parallel_loop3A_322 = arith.index_cast %parallel_loop3A_261 : i32 to index
      %parallel_loop3A_323 = arith.constant 32 : index
      %parallel_loop3A_324 = tpu.vector_load %arg10[%parallel_loop3A_321, %parallel_loop3A_322, %parallel_loop3A_323] {strides = array<i32>} : memref<3x128x128xf32, #tpu.memory_space<vmem>>, vector<1x1x16xf32>,
      %parallel_loop3A_325 = vector.shape_cast %parallel_loop3A_324 : vector<1x1x16xf32> to vector<16xf32>
      %parallel_loop3A_326 = arith.mulf %parallel_loop3A_281, %parallel_loop3A_325 : vector<16xf32>
      %parallel_loop3A_327 = arith.subf %parallel_loop3A_319, %parallel_loop3A_326 : vector<16xf32>
      %parallel_loop3A_328 = arith.mulf %parallel_loop3A_327, %parallel_loop3A_327 : vector<16xf32>
      %parallel_loop3A_329 = arith.addf %parallel_loop3A_313, %parallel_loop3A_328 : vector<16xf32>
      %parallel_loop3A_330 = arith.constant 2 : i32
      %parallel_loop3A_331 = arith.index_cast %parallel_loop3A_330 : i32 to index
      %parallel_loop3A_332 = arith.index_cast %parallel_loop3A_261 : i32 to index
      %parallel_loop3A_333 = arith.constant 48 : index
      %parallel_loop3A_334 = tpu.vector_load %arg9[%parallel_loop3A_331, %parallel_loop3A_332, %parallel_loop3A_333] {strides = array<i32>} : memref<3x128x128xf32, #tpu.memory_space<vmem>>, vector<1x1x16xf32>,
      %parallel_loop3A_335 = vector.shape_cast %parallel_loop3A_334 : vector<1x1x16xf32> to vector<16xf32>
      %parallel_loop3A_336 = arith.constant 2 : i32
      %parallel_loop3A_337 = arith.index_cast %parallel_loop3A_336 : i32 to index
      %parallel_loop3A_338 = arith.index_cast %parallel_loop3A_261 : i32 to index
      %parallel_loop3A_339 = arith.constant 48 : index
      %parallel_loop3A_340 = tpu.vector_load %arg10[%parallel_loop3A_337, %parallel_loop3A_338, %parallel_loop3A_339] {strides = array<i32>} : memref<3x128x128xf32, #tpu.memory_space<vmem>>, vector<1x1x16xf32>,
      %parallel_loop3A_341 = vector.shape_cast %parallel_loop3A_340 : vector<1x1x16xf32> to vector<16xf32>
      %parallel_loop3A_342 = arith.mulf %parallel_loop3A_281, %parallel_loop3A_341 : vector<16xf32>
      %parallel_loop3A_343 = arith.subf %parallel_loop3A_335, %parallel_loop3A_342 : vector<16xf32>
      %parallel_loop3A_344 = arith.mulf %parallel_loop3A_343, %parallel_loop3A_343 : vector<16xf32>
      %parallel_loop3A_345 = arith.addf %parallel_loop3A_329, %parallel_loop3A_344 : vector<16xf32>
      %parallel_loop3A_346 = arith.constant 2 : i32
      %parallel_loop3A_347 = arith.index_cast %parallel_loop3A_346 : i32 to index
      %parallel_loop3A_348 = arith.index_cast %parallel_loop3A_261 : i32 to index
      %parallel_loop3A_349 = arith.constant 64 : index
      %parallel_loop3A_350 = tpu.vector_load %arg9[%parallel_loop3A_347, %parallel_loop3A_348, %parallel_loop3A_349] {strides = array<i32>} : memref<3x128x128xf32, #tpu.memory_space<vmem>>, vector<1x1x16xf32>,
      %parallel_loop3A_351 = vector.shape_cast %parallel_loop3A_350 : vector<1x1x16xf32> to vector<16xf32>
      %parallel_loop3A_352 = arith.constant 2 : i32
      %parallel_loop3A_353 = arith.index_cast %parallel_loop3A_352 : i32 to index
      %parallel_loop3A_354 = arith.index_cast %parallel_loop3A_261 : i32 to index
      %parallel_loop3A_355 = arith.constant 64 : index
      %parallel_loop3A_356 = tpu.vector_load %arg10[%parallel_loop3A_353, %parallel_loop3A_354, %parallel_loop3A_355] {strides = array<i32>} : memref<3x128x128xf32, #tpu.memory_space<vmem>>, vector<1x1x16xf32>,
      %parallel_loop3A_357 = vector.shape_cast %parallel_loop3A_356 : vector<1x1x16xf32> to vector<16xf32>
      %parallel_loop3A_358 = arith.mulf %parallel_loop3A_281, %parallel_loop3A_357 : vector<16xf32>
      %parallel_loop3A_359 = arith.subf %parallel_loop3A_351, %parallel_loop3A_358 : vector<16xf32>
      %parallel_loop3A_360 = arith.mulf %parallel_loop3A_359, %parallel_loop3A_359 : vector<16xf32>
      %parallel_loop3A_361 = arith.addf %parallel_loop3A_345, %parallel_loop3A_360 : vector<16xf32>
      %parallel_loop3A_362 = arith.constant 2 : i32
      %parallel_loop3A_363 = arith.index_cast %parallel_loop3A_362 : i32 to index
      %parallel_loop3A_364 = arith.index_cast %parallel_loop3A_261 : i32 to index
      %parallel_loop3A_365 = arith.constant 80 : index
      %parallel_loop3A_366 = tpu.vector_load %arg9[%parallel_loop3A_363, %parallel_loop3A_364, %parallel_loop3A_365] {strides = array<i32>} : memref<3x128x128xf32, #tpu.memory_space<vmem>>, vector<1x1x16xf32>,
      %parallel_loop3A_367 = vector.shape_cast %parallel_loop3A_366 : vector<1x1x16xf32> to vector<16xf32>
      %parallel_loop3A_368 = arith.constant 2 : i32
      %parallel_loop3A_369 = arith.index_cast %parallel_loop3A_368 : i32 to index
      %parallel_loop3A_370 = arith.index_cast %parallel_loop3A_261 : i32 to index
      %parallel_loop3A_371 = arith.constant 80 : index
      %parallel_loop3A_372 = tpu.vector_load %arg10[%parallel_loop3A_369, %parallel_loop3A_370, %parallel_loop3A_371] {strides = array<i32>} : memref<3x128x128xf32, #tpu.memory_space<vmem>>, vector<1x1x16xf32>,
      %parallel_loop3A_373 = vector.shape_cast %parallel_loop3A_372 : vector<1x1x16xf32> to vector<16xf32>
      %parallel_loop3A_374 = arith.mulf %parallel_loop3A_281, %parallel_loop3A_373 : vector<16xf32>
      %parallel_loop3A_375 = arith.subf %parallel_loop3A_367, %parallel_loop3A_374 : vector<16xf32>
      %parallel_loop3A_376 = arith.mulf %parallel_loop3A_375, %parallel_loop3A_375 : vector<16xf32>
      %parallel_loop3A_377 = arith.addf %parallel_loop3A_361, %parallel_loop3A_376 : vector<16xf32>
      %parallel_loop3A_378 = arith.constant 2 : i32
      %parallel_loop3A_379 = arith.index_cast %parallel_loop3A_378 : i32 to index
      %parallel_loop3A_380 = arith.index_cast %parallel_loop3A_261 : i32 to index
      %parallel_loop3A_381 = arith.constant 96 : index
      %parallel_loop3A_382 = tpu.vector_load %arg9[%parallel_loop3A_379, %parallel_loop3A_380, %parallel_loop3A_381] {strides = array<i32>} : memref<3x128x128xf32, #tpu.memory_space<vmem>>, vector<1x1x16xf32>,
      %parallel_loop3A_383 = vector.shape_cast %parallel_loop3A_382 : vector<1x1x16xf32> to vector<16xf32>
      %parallel_loop3A_384 = arith.constant 2 : i32
      %parallel_loop3A_385 = arith.index_cast %parallel_loop3A_384 : i32 to index
      %parallel_loop3A_386 = arith.index_cast %parallel_loop3A_261 : i32 to index
      %parallel_loop3A_387 = arith.constant 96 : index
      %parallel_loop3A_388 = tpu.vector_load %arg10[%parallel_loop3A_385, %parallel_loop3A_386, %parallel_loop3A_387] {strides = array<i32>} : memref<3x128x128xf32, #tpu.memory_space<vmem>>, vector<1x1x16xf32>,
      %parallel_loop3A_389 = vector.shape_cast %parallel_loop3A_388 : vector<1x1x16xf32> to vector<16xf32>
      %parallel_loop3A_390 = arith.mulf %parallel_loop3A_281, %parallel_loop3A_389 : vector<16xf32>
      %parallel_loop3A_391 = arith.subf %parallel_loop3A_383, %parallel_loop3A_390 : vector<16xf32>
      %parallel_loop3A_392 = arith.mulf %parallel_loop3A_391, %parallel_loop3A_391 : vector<16xf32>
      %parallel_loop3A_393 = arith.addf %parallel_loop3A_377, %parallel_loop3A_392 : vector<16xf32>
      %parallel_loop3A_394 = arith.constant 2 : i32
      %parallel_loop3A_395 = arith.index_cast %parallel_loop3A_394 : i32 to index
      %parallel_loop3A_396 = arith.index_cast %parallel_loop3A_261 : i32 to index
      %parallel_loop3A_397 = arith.constant 112 : index
      %parallel_loop3A_398 = tpu.vector_load %arg9[%parallel_loop3A_395, %parallel_loop3A_396, %parallel_loop3A_397] {strides = array<i32>} : memref<3x128x128xf32, #tpu.memory_space<vmem>>, vector<1x1x16xf32>,
      %parallel_loop3A_399 = vector.shape_cast %parallel_loop3A_398 : vector<1x1x16xf32> to vector<16xf32>
      %parallel_loop3A_400 = arith.constant 2 : i32
      %parallel_loop3A_401 = arith.index_cast %parallel_loop3A_400 : i32 to index
      %parallel_loop3A_402 = arith.index_cast %parallel_loop3A_261 : i32 to index
      %parallel_loop3A_403 = arith.constant 112 : index
      %parallel_loop3A_404 = tpu.vector_load %arg10[%parallel_loop3A_401, %parallel_loop3A_402, %parallel_loop3A_403] {strides = array<i32>} : memref<3x128x128xf32, #tpu.memory_space<vmem>>, vector<1x1x16xf32>,
      %parallel_loop3A_405 = vector.shape_cast %parallel_loop3A_404 : vector<1x1x16xf32> to vector<16xf32>
      %parallel_loop3A_406 = arith.mulf %parallel_loop3A_281, %parallel_loop3A_405 : vector<16xf32>
      %parallel_loop3A_407 = arith.subf %parallel_loop3A_399, %parallel_loop3A_406 : vector<16xf32>
      %parallel_loop3A_408 = arith.mulf %parallel_loop3A_407, %parallel_loop3A_407 : vector<16xf32>
      %parallel_loop3A_409 = arith.addf %parallel_loop3A_393, %parallel_loop3A_408 : vector<16xf32>
      scf.yield %parallel_loop3A_409 : vector<16xf32>
    } {sc.loop_unroll_factor = 2 : i64, sc.parallel_access}
    %dma_wait3A_228 = arith.constant 0 : i32
    %dma_wait3A_229 = arith.constant 0 : i32
    %dma_wait3A_230 = arith.constant 0 : i32
    %dma_wait3A_231 = tpu.memref_slice %arg9[%dma_wait3A_228, %dma_wait3A_229, %dma_wait3A_230] : memref<3x128x128xf32, #tpu.memory_space<vmem>> -> memref<1x128x128xf32, #tpu.memory_space<vmem>>
    %dma_wait3A_232 = tpu.memref_squeeze %dma_wait3A_231 : memref<1x128x128xf32, #tpu.memory_space<vmem>> -> memref<128x128xf32, #tpu.memory_space<vmem>>
    %dma_wait3A_233 = arith.constant 0 : i32
    %dma_wait3A_234 = tpu.memref_slice %arg2[%add3A_150, %dma_wait3A_233] : memref<16384x128xf32, #tpu.memory_space<hbm>> -> memref<128x128xf32, #tpu.memory_space<hbm>>
    %dma_wait3A_235 = arith.constant 0 : i32
    %dma_wait3A_236 = arith.constant 0 : i32
    %dma_wait3A_237 = tpu.memref_slice %arg9[%dma_wait3A_228, %dma_wait3A_235, %dma_wait3A_236] : memref<3x128x128xf32, #tpu.memory_space<vmem>> -> memref<1x128x128xf32, #tpu.memory_space<vmem>>
    %dma_wait3A_238 = tpu.memref_squeeze %dma_wait3A_237 : memref<1x128x128xf32, #tpu.memory_space<vmem>> -> memref<128x128xf32, #tpu.memory_space<vmem>>
    %dma_wait3A_239 = arith.constant 0 : i32
    %dma_wait3A_240 = tpu.memref_slice %arg2[%add3A_150, %dma_wait3A_239] : memref<16384x128xf32, #tpu.memory_space<hbm>> -> memref<128x128xf32, #tpu.memory_space<hbm>>
    tpu.wait_dma2 semaphore(%arg13 : memref<!tpu.dma_semaphore, #tpu.memory_space<semaphore_mem>>) src(%dma_wait3A_240 : memref<128x128xf32, #tpu.memory_space<hbm>>) dst(%dma_wait3A_238 : memref<128x128xf32, #tpu.memory_space<vmem>>)
    %dma_wait3A_241 = arith.constant 0 : i32
    %dma_wait3A_242 = arith.constant 0 : i32
    %dma_wait3A_243 = arith.constant 0 : i32
    %dma_wait3A_244 = tpu.memref_slice %arg10[%dma_wait3A_241, %dma_wait3A_242, %dma_wait3A_243] : memref<3x128x128xf32, #tpu.memory_space<vmem>> -> memref<1x128x128xf32, #tpu.memory_space<vmem>>
    %dma_wait3A_245 = tpu.memref_squeeze %dma_wait3A_244 : memref<1x128x128xf32, #tpu.memory_space<vmem>> -> memref<128x128xf32, #tpu.memory_space<vmem>>
    %dma_wait3A_246 = arith.constant 384 : i32
    %dma_wait3A_247 = tpu.memref_slice %arg7[%dma_wait3A_246] : memref<512xi32, #tpu.memory_space<vmem>> -> memref<128xi32, #tpu.memory_space<vmem>>
    %dma_wait3A_248 = arith.constant 0 : i32
    %dma_wait3A_249 = arith.constant 0 : i32
    %dma_wait3A_250 = tpu.memref_slice %arg4[%dma_wait3A_248, %dma_wait3A_249] : memref<100000x128xf32, #tpu.memory_space<hbm>> -> memref<100000x128xf32, #tpu.memory_space<hbm>>
    tpu.wait_indirect_dma semaphore(%arg16 : memref<!tpu.dma_semaphore, #tpu.memory_space<semaphore_mem>>) src(%dma_wait3A_250 : memref<100000x128xf32, #tpu.memory_space<hbm>>) dst(%dma_wait3A_245 : memref<128x128xf32, #tpu.memory_space<vmem>>)
    %parallel_loop3A_251 = arith.constant 0 : i32
    %parallel_loop3A_252 = arith.constant 128 : i32
    %parallel_loop3A_253 = arith.constant 1 : i32
    %parallel_loop3A_254 = scf.for %parallel_loop3A_261 = %parallel_loop3A_251 to %parallel_loop3A_252 step %parallel_loop3A_253 iter_args(%parallel_loop3A_262 = %parallel_loop3A_227) -> (vector<16xf32>)  : i32 {
      %parallel_loop3A_263 = arith.constant 15 : i32
      %parallel_loop3A_264 = arith.andi %parallel_loop3A_261, %parallel_loop3A_263 : i32
      %parallel_loop3A_265 = arith.subi %parallel_loop3A_261, %parallel_loop3A_264 : i32
      %parallel_loop3A_266 = arith.constant 384 : i32
      %parallel_loop3A_267 = arith.addi %parallel_loop3A_266, %parallel_loop3A_265 : i32
      %parallel_loop3A_268 = arith.index_cast %parallel_loop3A_267 : i32 to index
      %parallel_loop3A_269 = tpu.vector_load %arg8[%parallel_loop3A_268] {strides = array<i32>} : memref<512xf32, #tpu.memory_space<vmem>>, vector<16xf32>,
      %parallel_loop3A_270 = vector.shape_cast %parallel_loop3A_269 : vector<16xf32> to vector<16xf32>
      %parallel_loop3A_271 = vector.broadcast %parallel_loop3A_264 : i32 to vector<16xi32>
      %parallel_loop3A_272 = arith.constant 0 : i32
      %parallel_loop3A_273 = vector.broadcast %parallel_loop3A_272 : i32 to vector<16xi32>
      %parallel_loop3A_274 = arith.cmpi slt, %parallel_loop3A_271, %parallel_loop3A_273 : vector<16xi32>
      %parallel_loop3A_275 = arith.constant 16 : i32
      %parallel_loop3A_276 = vector.broadcast %parallel_loop3A_275 : i32 to vector<16xi32>
      %parallel_loop3A_277 = arith.addi %parallel_loop3A_271, %parallel_loop3A_276 : vector<16xi32>
      %parallel_loop3A_278 = arith.select %parallel_loop3A_274, %parallel_loop3A_277, %parallel_loop3A_271 : vector<16xi1>, vector<16xi32>
      %parallel_loop3A_279 = vector.shape_cast %parallel_loop3A_278 : vector<16xi32> to vector<16x1xi32>
      %parallel_loop3A_280 = vector.shape_cast %parallel_loop3A_279 : vector<16x1xi32> to vector<16xi32>
      %parallel_loop3A_281 = tpu.dynamic_gather %parallel_loop3A_270[%parallel_loop3A_280] in [0] : vector<16xf32>, vector<16xi32> -> vector<16xf32>
      %parallel_loop3A_282 = arith.constant 0 : i32
      %parallel_loop3A_283 = arith.index_cast %parallel_loop3A_282 : i32 to index
      %parallel_loop3A_284 = arith.index_cast %parallel_loop3A_261 : i32 to index
      %parallel_loop3A_285 = arith.constant 0 : index
      %parallel_loop3A_286 = tpu.vector_load %arg9[%parallel_loop3A_283, %parallel_loop3A_284, %parallel_loop3A_285] {strides = array<i32>} : memref<3x128x128xf32, #tpu.memory_space<vmem>>, vector<1x1x16xf32>,
      %parallel_loop3A_287 = vector.shape_cast %parallel_loop3A_286 : vector<1x1x16xf32> to vector<16xf32>
      %parallel_loop3A_288 = arith.constant 0 : i32
      %parallel_loop3A_289 = arith.index_cast %parallel_loop3A_288 : i32 to index
      %parallel_loop3A_290 = arith.index_cast %parallel_loop3A_261 : i32 to index
      %parallel_loop3A_291 = arith.constant 0 : index
      %parallel_loop3A_292 = tpu.vector_load %arg10[%parallel_loop3A_289, %parallel_loop3A_290, %parallel_loop3A_291] {strides = array<i32>} : memref<3x128x128xf32, #tpu.memory_space<vmem>>, vector<1x1x16xf32>,
      %parallel_loop3A_293 = vector.shape_cast %parallel_loop3A_292 : vector<1x1x16xf32> to vector<16xf32>
      %parallel_loop3A_294 = arith.mulf %parallel_loop3A_281, %parallel_loop3A_293 : vector<16xf32>
      %parallel_loop3A_295 = arith.subf %parallel_loop3A_287, %parallel_loop3A_294 : vector<16xf32>
      %parallel_loop3A_296 = arith.mulf %parallel_loop3A_295, %parallel_loop3A_295 : vector<16xf32>
      %parallel_loop3A_297 = arith.addf %parallel_loop3A_262, %parallel_loop3A_296 : vector<16xf32>
      %parallel_loop3A_298 = arith.constant 0 : i32
      %parallel_loop3A_299 = arith.index_cast %parallel_loop3A_298 : i32 to index
      %parallel_loop3A_300 = arith.index_cast %parallel_loop3A_261 : i32 to index
      %parallel_loop3A_301 = arith.constant 16 : index
      %parallel_loop3A_302 = tpu.vector_load %arg9[%parallel_loop3A_299, %parallel_loop3A_300, %parallel_loop3A_301] {strides = array<i32>} : memref<3x128x128xf32, #tpu.memory_space<vmem>>, vector<1x1x16xf32>,
      %parallel_loop3A_303 = vector.shape_cast %parallel_loop3A_302 : vector<1x1x16xf32> to vector<16xf32>
      %parallel_loop3A_304 = arith.constant 0 : i32
      %parallel_loop3A_305 = arith.index_cast %parallel_loop3A_304 : i32 to index
      %parallel_loop3A_306 = arith.index_cast %parallel_loop3A_261 : i32 to index
      %parallel_loop3A_307 = arith.constant 16 : index
      %parallel_loop3A_308 = tpu.vector_load %arg10[%parallel_loop3A_305, %parallel_loop3A_306, %parallel_loop3A_307] {strides = array<i32>} : memref<3x128x128xf32, #tpu.memory_space<vmem>>, vector<1x1x16xf32>,
      %parallel_loop3A_309 = vector.shape_cast %parallel_loop3A_308 : vector<1x1x16xf32> to vector<16xf32>
      %parallel_loop3A_310 = arith.mulf %parallel_loop3A_281, %parallel_loop3A_309 : vector<16xf32>
      %parallel_loop3A_311 = arith.subf %parallel_loop3A_303, %parallel_loop3A_310 : vector<16xf32>
      %parallel_loop3A_312 = arith.mulf %parallel_loop3A_311, %parallel_loop3A_311 : vector<16xf32>
      %parallel_loop3A_313 = arith.addf %parallel_loop3A_297, %parallel_loop3A_312 : vector<16xf32>
      %parallel_loop3A_314 = arith.constant 0 : i32
      %parallel_loop3A_315 = arith.index_cast %parallel_loop3A_314 : i32 to index
      %parallel_loop3A_316 = arith.index_cast %parallel_loop3A_261 : i32 to index
      %parallel_loop3A_317 = arith.constant 32 : index
      %parallel_loop3A_318 = tpu.vector_load %arg9[%parallel_loop3A_315, %parallel_loop3A_316, %parallel_loop3A_317] {strides = array<i32>} : memref<3x128x128xf32, #tpu.memory_space<vmem>>, vector<1x1x16xf32>,
      %parallel_loop3A_319 = vector.shape_cast %parallel_loop3A_318 : vector<1x1x16xf32> to vector<16xf32>
      %parallel_loop3A_320 = arith.constant 0 : i32
      %parallel_loop3A_321 = arith.index_cast %parallel_loop3A_320 : i32 to index
      %parallel_loop3A_322 = arith.index_cast %parallel_loop3A_261 : i32 to index
      %parallel_loop3A_323 = arith.constant 32 : index
      %parallel_loop3A_324 = tpu.vector_load %arg10[%parallel_loop3A_321, %parallel_loop3A_322, %parallel_loop3A_323] {strides = array<i32>} : memref<3x128x128xf32, #tpu.memory_space<vmem>>, vector<1x1x16xf32>,
      %parallel_loop3A_325 = vector.shape_cast %parallel_loop3A_324 : vector<1x1x16xf32> to vector<16xf32>
      %parallel_loop3A_326 = arith.mulf %parallel_loop3A_281, %parallel_loop3A_325 : vector<16xf32>
      %parallel_loop3A_327 = arith.subf %parallel_loop3A_319, %parallel_loop3A_326 : vector<16xf32>
      %parallel_loop3A_328 = arith.mulf %parallel_loop3A_327, %parallel_loop3A_327 : vector<16xf32>
      %parallel_loop3A_329 = arith.addf %parallel_loop3A_313, %parallel_loop3A_328 : vector<16xf32>
      %parallel_loop3A_330 = arith.constant 0 : i32
      %parallel_loop3A_331 = arith.index_cast %parallel_loop3A_330 : i32 to index
      %parallel_loop3A_332 = arith.index_cast %parallel_loop3A_261 : i32 to index
      %parallel_loop3A_333 = arith.constant 48 : index
      %parallel_loop3A_334 = tpu.vector_load %arg9[%parallel_loop3A_331, %parallel_loop3A_332, %parallel_loop3A_333] {strides = array<i32>} : memref<3x128x128xf32, #tpu.memory_space<vmem>>, vector<1x1x16xf32>,
      %parallel_loop3A_335 = vector.shape_cast %parallel_loop3A_334 : vector<1x1x16xf32> to vector<16xf32>
      %parallel_loop3A_336 = arith.constant 0 : i32
      %parallel_loop3A_337 = arith.index_cast %parallel_loop3A_336 : i32 to index
      %parallel_loop3A_338 = arith.index_cast %parallel_loop3A_261 : i32 to index
      %parallel_loop3A_339 = arith.constant 48 : index
      %parallel_loop3A_340 = tpu.vector_load %arg10[%parallel_loop3A_337, %parallel_loop3A_338, %parallel_loop3A_339] {strides = array<i32>} : memref<3x128x128xf32, #tpu.memory_space<vmem>>, vector<1x1x16xf32>,
      %parallel_loop3A_341 = vector.shape_cast %parallel_loop3A_340 : vector<1x1x16xf32> to vector<16xf32>
      %parallel_loop3A_342 = arith.mulf %parallel_loop3A_281, %parallel_loop3A_341 : vector<16xf32>
      %parallel_loop3A_343 = arith.subf %parallel_loop3A_335, %parallel_loop3A_342 : vector<16xf32>
      %parallel_loop3A_344 = arith.mulf %parallel_loop3A_343, %parallel_loop3A_343 : vector<16xf32>
      %parallel_loop3A_345 = arith.addf %parallel_loop3A_329, %parallel_loop3A_344 : vector<16xf32>
      %parallel_loop3A_346 = arith.constant 0 : i32
      %parallel_loop3A_347 = arith.index_cast %parallel_loop3A_346 : i32 to index
      %parallel_loop3A_348 = arith.index_cast %parallel_loop3A_261 : i32 to index
      %parallel_loop3A_349 = arith.constant 64 : index
      %parallel_loop3A_350 = tpu.vector_load %arg9[%parallel_loop3A_347, %parallel_loop3A_348, %parallel_loop3A_349] {strides = array<i32>} : memref<3x128x128xf32, #tpu.memory_space<vmem>>, vector<1x1x16xf32>,
      %parallel_loop3A_351 = vector.shape_cast %parallel_loop3A_350 : vector<1x1x16xf32> to vector<16xf32>
      %parallel_loop3A_352 = arith.constant 0 : i32
      %parallel_loop3A_353 = arith.index_cast %parallel_loop3A_352 : i32 to index
      %parallel_loop3A_354 = arith.index_cast %parallel_loop3A_261 : i32 to index
      %parallel_loop3A_355 = arith.constant 64 : index
      %parallel_loop3A_356 = tpu.vector_load %arg10[%parallel_loop3A_353, %parallel_loop3A_354, %parallel_loop3A_355] {strides = array<i32>} : memref<3x128x128xf32, #tpu.memory_space<vmem>>, vector<1x1x16xf32>,
      %parallel_loop3A_357 = vector.shape_cast %parallel_loop3A_356 : vector<1x1x16xf32> to vector<16xf32>
      %parallel_loop3A_358 = arith.mulf %parallel_loop3A_281, %parallel_loop3A_357 : vector<16xf32>
      %parallel_loop3A_359 = arith.subf %parallel_loop3A_351, %parallel_loop3A_358 : vector<16xf32>
      %parallel_loop3A_360 = arith.mulf %parallel_loop3A_359, %parallel_loop3A_359 : vector<16xf32>
      %parallel_loop3A_361 = arith.addf %parallel_loop3A_345, %parallel_loop3A_360 : vector<16xf32>
      %parallel_loop3A_362 = arith.constant 0 : i32
      %parallel_loop3A_363 = arith.index_cast %parallel_loop3A_362 : i32 to index
      %parallel_loop3A_364 = arith.index_cast %parallel_loop3A_261 : i32 to index
      %parallel_loop3A_365 = arith.constant 80 : index
      %parallel_loop3A_366 = tpu.vector_load %arg9[%parallel_loop3A_363, %parallel_loop3A_364, %parallel_loop3A_365] {strides = array<i32>} : memref<3x128x128xf32, #tpu.memory_space<vmem>>, vector<1x1x16xf32>,
      %parallel_loop3A_367 = vector.shape_cast %parallel_loop3A_366 : vector<1x1x16xf32> to vector<16xf32>
      %parallel_loop3A_368 = arith.constant 0 : i32
      %parallel_loop3A_369 = arith.index_cast %parallel_loop3A_368 : i32 to index
      %parallel_loop3A_370 = arith.index_cast %parallel_loop3A_261 : i32 to index
      %parallel_loop3A_371 = arith.constant 80 : index
      %parallel_loop3A_372 = tpu.vector_load %arg10[%parallel_loop3A_369, %parallel_loop3A_370, %parallel_loop3A_371] {strides = array<i32>} : memref<3x128x128xf32, #tpu.memory_space<vmem>>, vector<1x1x16xf32>,
      %parallel_loop3A_373 = vector.shape_cast %parallel_loop3A_372 : vector<1x1x16xf32> to vector<16xf32>
      %parallel_loop3A_374 = arith.mulf %parallel_loop3A_281, %parallel_loop3A_373 : vector<16xf32>
      %parallel_loop3A_375 = arith.subf %parallel_loop3A_367, %parallel_loop3A_374 : vector<16xf32>
      %parallel_loop3A_376 = arith.mulf %parallel_loop3A_375, %parallel_loop3A_375 : vector<16xf32>
      %parallel_loop3A_377 = arith.addf %parallel_loop3A_361, %parallel_loop3A_376 : vector<16xf32>
      %parallel_loop3A_378 = arith.constant 0 : i32
      %parallel_loop3A_379 = arith.index_cast %parallel_loop3A_378 : i32 to index
      %parallel_loop3A_380 = arith.index_cast %parallel_loop3A_261 : i32 to index
      %parallel_loop3A_381 = arith.constant 96 : index
      %parallel_loop3A_382 = tpu.vector_load %arg9[%parallel_loop3A_379, %parallel_loop3A_380, %parallel_loop3A_381] {strides = array<i32>} : memref<3x128x128xf32, #tpu.memory_space<vmem>>, vector<1x1x16xf32>,
      %parallel_loop3A_383 = vector.shape_cast %parallel_loop3A_382 : vector<1x1x16xf32> to vector<16xf32>
      %parallel_loop3A_384 = arith.constant 0 : i32
      %parallel_loop3A_385 = arith.index_cast %parallel_loop3A_384 : i32 to index
      %parallel_loop3A_386 = arith.index_cast %parallel_loop3A_261 : i32 to index
      %parallel_loop3A_387 = arith.constant 96 : index
      %parallel_loop3A_388 = tpu.vector_load %arg10[%parallel_loop3A_385, %parallel_loop3A_386, %parallel_loop3A_387] {strides = array<i32>} : memref<3x128x128xf32, #tpu.memory_space<vmem>>, vector<1x1x16xf32>,
      %parallel_loop3A_389 = vector.shape_cast %parallel_loop3A_388 : vector<1x1x16xf32> to vector<16xf32>
      %parallel_loop3A_390 = arith.mulf %parallel_loop3A_281, %parallel_loop3A_389 : vector<16xf32>
      %parallel_loop3A_391 = arith.subf %parallel_loop3A_383, %parallel_loop3A_390 : vector<16xf32>
      %parallel_loop3A_392 = arith.mulf %parallel_loop3A_391, %parallel_loop3A_391 : vector<16xf32>
      %parallel_loop3A_393 = arith.addf %parallel_loop3A_377, %parallel_loop3A_392 : vector<16xf32>
      %parallel_loop3A_394 = arith.constant 0 : i32
      %parallel_loop3A_395 = arith.index_cast %parallel_loop3A_394 : i32 to index
      %parallel_loop3A_396 = arith.index_cast %parallel_loop3A_261 : i32 to index
      %parallel_loop3A_397 = arith.constant 112 : index
      %parallel_loop3A_398 = tpu.vector_load %arg9[%parallel_loop3A_395, %parallel_loop3A_396, %parallel_loop3A_397] {strides = array<i32>} : memref<3x128x128xf32, #tpu.memory_space<vmem>>, vector<1x1x16xf32>,
      %parallel_loop3A_399 = vector.shape_cast %parallel_loop3A_398 : vector<1x1x16xf32> to vector<16xf32>
      %parallel_loop3A_400 = arith.constant 0 : i32
      %parallel_loop3A_401 = arith.index_cast %parallel_loop3A_400 : i32 to index
      %parallel_loop3A_402 = arith.index_cast %parallel_loop3A_261 : i32 to index
      %parallel_loop3A_403 = arith.constant 112 : index
      %parallel_loop3A_404 = tpu.vector_load %arg10[%parallel_loop3A_401, %parallel_loop3A_402, %parallel_loop3A_403] {strides = array<i32>} : memref<3x128x128xf32, #tpu.memory_space<vmem>>, vector<1x1x16xf32>,
      %parallel_loop3A_405 = vector.shape_cast %parallel_loop3A_404 : vector<1x1x16xf32> to vector<16xf32>
      %parallel_loop3A_406 = arith.mulf %parallel_loop3A_281, %parallel_loop3A_405 : vector<16xf32>
      %parallel_loop3A_407 = arith.subf %parallel_loop3A_399, %parallel_loop3A_406 : vector<16xf32>
      %parallel_loop3A_408 = arith.mulf %parallel_loop3A_407, %parallel_loop3A_407 : vector<16xf32>
      %parallel_loop3A_409 = arith.addf %parallel_loop3A_393, %parallel_loop3A_408 : vector<16xf32>
      scf.yield %parallel_loop3A_409 : vector<16xf32>
    } {sc.loop_unroll_factor = 2 : i64, sc.parallel_access}
    %mul3A_255 = arith.constant 1.52587887E-7 : f32
    %mul3A_256 = vector.broadcast %mul3A_255 : f32 to vector<16xf32>
    %mul3A_257 = arith.mulf %parallel_loop3A_254, %mul3A_256 : vector<16xf32>
    %swap3A = arith.constant 0 : index
    %swap3A_258 = tpu.vector_load %arg11[%swap3A] {strides = array<i32>} : memref<16xf32, #tpu.memory_space<vmem>>, vector<16xf32>,
    %swap3A_259 = vector.shape_cast %swap3A_258 : vector<16xf32> to vector<16xf32>
    %swap3A_260 = vector.shape_cast %mul3A_257 : vector<16xf32> to vector<16xf32>
    tpu.vector_store %arg11[%swap3A], %swap3A_260 {strides = array<i32>} : memref<16xf32, #tpu.memory_space<vmem>>, vector<16xf32>,
    "tpu.region"() ({
      %run_scoped3A = tpu.sem_alloc : memref<!tpu.dma_semaphore, #tpu.memory_space<semaphore_mem>>
      %dma_start3A_261 = arith.constant 0 : i32
      %dma_start3A_262 = tpu.memref_slice %arg6[%add3A, %dma_start3A_261] : memref<32x16xf32, #tpu.memory_space<hbm>> -> memref<1x16xf32, #tpu.memory_space<hbm>>
      %dma_start3A_263 = tpu.memref_squeeze %dma_start3A_262 : memref<1x16xf32, #tpu.memory_space<hbm>> -> memref<16xf32, #tpu.memory_space<hbm>>
      %dma_start3A_264 = arith.constant 0 : i32
      %dma_start3A_265 = tpu.memref_slice %arg6[%add3A, %dma_start3A_264] : memref<32x16xf32, #tpu.memory_space<hbm>> -> memref<1x16xf32, #tpu.memory_space<hbm>>
      %dma_start3A_266 = tpu.memref_squeeze %dma_start3A_265 : memref<1x16xf32, #tpu.memory_space<hbm>> -> memref<16xf32, #tpu.memory_space<hbm>>
      tpu.enqueue_dma source(%arg11 : memref<16xf32, #tpu.memory_space<vmem>>) target(%dma_start3A_266 : memref<16xf32, #tpu.memory_space<hbm>>) target_semaphore(%run_scoped3A : memref<!tpu.dma_semaphore, #tpu.memory_space<semaphore_mem>>)
      %dma_wait3A_267 = arith.constant 0 : i32
      %dma_wait3A_268 = tpu.memref_slice %arg6[%add3A, %dma_wait3A_267] : memref<32x16xf32, #tpu.memory_space<hbm>> -> memref<1x16xf32, #tpu.memory_space<hbm>>
      %dma_wait3A_269 = tpu.memref_squeeze %dma_wait3A_268 : memref<1x16xf32, #tpu.memory_space<hbm>> -> memref<16xf32, #tpu.memory_space<hbm>>
      %dma_wait3A_270 = arith.constant 0 : i32
      %dma_wait3A_271 = tpu.memref_slice %arg6[%add3A, %dma_wait3A_270] : memref<32x16xf32, #tpu.memory_space<hbm>> -> memref<1x16xf32, #tpu.memory_space<hbm>>
      %dma_wait3A_272 = tpu.memref_squeeze %dma_wait3A_271 : memref<1x16xf32, #tpu.memory_space<hbm>> -> memref<16xf32, #tpu.memory_space<hbm>>
      tpu.wait_dma2 semaphore(%run_scoped3A : memref<!tpu.dma_semaphore, #tpu.memory_space<semaphore_mem>>) src(%arg11 : memref<16xf32, #tpu.memory_space<vmem>>) dst(%dma_wait3A_272 : memref<16xf32, #tpu.memory_space<hbm>>)
      tpu.yield
    }) : () -> ()
    return
  }
}

</mosaic_0001>

<sc_bundles>
// kernel: _run.3.cloned.1.call-start
scs
__scs_entry_jumppad:
0x0: {  	(pc) =	sbr.rel $0x88, $3  }
0x1: {  	(tag) =	ssettag $0x0;
	lr =	simm.s32 $0x1  }
0x2: {  	[smem:$0x3F9D] =	sst lr;
	_ =	strace $0xD0000000  }
0x3: {  	_ = 	snop  }
0x4: {  	_ = 	snop  }
0x5: {  	_ = 	snop  }
0x6: {  	_ = 	snop  }
0x7: {  	_ = 	snop  }
__scs_overlays_trampoline_lowered:
0x8: {  	[smem:$0x3FAC] =	sst s0  }
0x9: {  	[smem:$0x3FAD] =	sst s1  }
0xa: {  	[smem:$0x3FAE] =	sst s2  }
0xb: {  	[smem:$0x3FAF] =	sst s3  }
0xc: {  	[smem:$0x3FB0] =	sst s4  }
0xd: {  	[smem:$0x3FB1] =	sst s5  }
0xe: {  	[smem:$0x3FB2] =	sst s6  }
0xf: {  	[smem:$0x3FB3] =	sst s7  }
0x10: {  	[smem:$0x3FB4] =	sst s8  }
0x11: {  	[smem:$0x3FB5] =	sst s9;
	s0 =	simm.s32 @!p0 $0x0  }
0x12: {  	s1 =	sld [smem:$0x3F9B];
	s0 =	simm.s32 @p0 $0x1  }
0x13: {  	[smem:$0x3FB6] =	sst s0;
	s0 =	simm.s32 @!p1 $0x0  }
0x14: {  	s2 =	sld [smem:$0x3F9A];
	s0 =	simm.s32 @p1 $0x1  }
0x15: {  	[smem:$0x3FB7] =	sst s0;
	s0 =	simm.s32 @!p2 $0x0  }
0x16: {  	s3 =	sld [smem:$0x3FDB];
	s0 =	simm.s32 @p2 $0x1  }
0x17: {  	s4 =	simm.s32 $0x1BF5;
	[smem:$0x3FB9] =	sst s0  }
0x18: {  	s0 =	sld [smem:$0x3F9C];
	_ =	swait.ge [sflag:s4], $0x0  }
0x19: {  	s7 =	sld [smem:$0x3F9D]  }
0x1a: {  	s8 =	sadd.s32 $0xFFFFE003, lr  }
0x1b: {  	s9 =	sadd.s32 $0xFFFFFEF7, lr;
	s5 =	simm.s32 $0xFFFFFFFF;
	p2 =	slt.u32 s8, $0xFFFFF086  }
0x1c: {  	p1 =	slt.u32 s9, $0xF7A;
	s5 =	simm.s32 @!p2 $0x0  }
0x1d: {  	s5 =	simm.s32 @p1 $0x1;
	p0 =	seq.s32 s7, s2  }
0x1e: {  	s7 =	smul.u32 @!p0 $0xF7A, s2;
	p2 =	seq.s32 @!p0 s5, $0x0  }
0x1f: {  	s9 =	smul.u32 $0xF7A, s1;
	s8 =	simm.s32 @!p0 $0x1BF5;
	p2 =	por !p2, p0  }
0x20: {  	[sflag:s8] =	ssyncset.s32 @!p0 $0xFFFFF086;
	s6 =	sadd.s32 @!p0 s3, s7;
	s7 =	simm.s32 @!p0 $0x108  }
0x21: {  	s3 =	sadd.s32 s3, s9;
	s6 =	sadd.s32 @!p0 $0x88, s6;
	s7 =	simm.s32 @p2 $0x1082  }
0x22: {  	[simem:s7], [sflag:s8] =	dma.local @!p0 [hbm:s6], $0xF7A  }
0x23: {  	s9 =	sor.u32 $0xD0000000, s2;
	s6 =	simm.s32 $0x108;
	_ =	swait.ge @!p0 [sflag:s8], $0x0  }
0x24: {  	s3 =	sadd.s32 $0x88, s3;
	s6 =	simm.s32 @!p1 $0x1082;
	[sflag:s4] =	ssyncset.s32 $0xFFFFF086  }
0x25: {  	[simem:s6], [sflag:s4] =	dma.local [hbm:s3], $0xF7A  }
0x26: {  	[smem:$0x3F9D] =	sst s1;
	(tag) =	ssettag s2;
	_ =	strace s9  }
0x27: {  	s1 =	sld [smem:$0x3FAD]  }
0x28: {  	s2 =	sld [smem:$0x3FAE]  }
0x29: {  	s4 =	sld [smem:$0x3FB0]  }
0x2a: {  	p0 =	seq.s32 s5, $0x0;
	s5 =	sld [smem:$0x3FB1]  }
0x2b: {  	s6 =	sld [smem:$0x3FB2]  }
0x2c: {  	s7 =	sld [smem:$0x3FB3]  }
0x2d: {  	s3 =	simm.s32 $0x108;
	s8 =	sld [smem:$0x3FB4]  }
0x2e: {  	s3 =	simm.s32 @!p0 $0x1082;
	s9 =	sld [smem:$0x3FB5]  }
0x2f: {  	lr =	sadd.s32 s0, s3;
	s0 =	sld [smem:$0x3FAC]  }
0x30: {  	s3 =	sld [smem:$0x3FAF]  }
0x31: {  	[smem:$0x3FB8] =	sst s10  }
0x32: {  	s10 =	sld [smem:$0x3FB6];
	_ =	sdelay $0x3  }
0x33: {  	p0 =	seq.s32 s10, $0x1;
	s10 =	sld [smem:$0x3FB8];
	_ =	sdelay $0x3  }
0x34: {  	[smem:$0x3FB8] =	sst s10  }
0x35: {  	s10 =	sld [smem:$0x3FB7];
	_ =	sdelay $0x3  }
0x36: {  	p1 =	seq.s32 s10, $0x1;
	s10 =	sld [smem:$0x3FB8];
	_ =	sdelay $0x3  }
0x37: {  	[smem:$0x3FB8] =	sst s10  }
0x38: {  	s10 =	sld [smem:$0x3FB9]  }
0x39: {  	_ = 	snop;
	(pc) =	sbr.ind lr, $3  }
0x3a: {  	_ = 	snop  }
0x3b: {  	_ = 	snop  }
0x3c: {  	p2 =	seq.s32 s10, $0x1;
	s10 =	sld [smem:$0x3FB8]  }
0x3d: {  	_ =	shalt  }
0x3e: {  	_ =	shalt  }
0x3f: {  	_ =	shalt  }
0x40: {  	_ =	shalt  }
0x41: {  	_ =	shalt  }
0x42: {  	_ =	shalt  }
0x43: {  	_ =	shalt  }
0x44: {  	_ =	shalt  }
0x45: {  	_ =	shalt  }
0x46: {  	_ =	shalt  }
0x47: {  	_ =	shalt  }
0x48: {  	_ =	shalt  }
0x49: {  	_ =	shalt  }
0x4a: {  	_ =	shalt  }
0x4b: {  	_ =	shalt  }
0x4c: {  	_ =	shalt  }
0x4d: {  	_ =	shalt  }
0x4e: {  	_ =	shalt  }
0x4f: {  	_ =	shalt  }
0x50: {  	_ =	shalt  }
0x51: {  	_ =	shalt  }
0x52: {  	_ =	shalt  }
0x53: {  	_ =	shalt  }
0x54: {  	_ =	shalt  }
0x55: {  	_ =	shalt  }
0x56: {  	_ =	shalt  }
0x57: {  	_ =	shalt  }
0x58: {  	_ =	shalt  }
0x59: {  	_ =	shalt  }
0x5a: {  	_ =	shalt  }
0x5b: {  	_ =	shalt  }
0x5c: {  	_ =	shalt  }
0x5d: {  	_ =	shalt  }
0x5e: {  	_ =	shalt  }
0x5f: {  	_ =	shalt  }
0x60: {  	_ =	shalt  }
0x61: {  	_ =	shalt  }
0x62: {  	_ =	shalt  }
0x63: {  	_ =	shalt  }
0x64: {  	_ =	shalt  }
0x65: {  	_ =	shalt  }
0x66: {  	_ =	shalt  }
0x67: {  	_ =	shalt  }
0x68: {  	_ =	shalt  }
0x69: {  	_ =	shalt  }
0x6a: {  	_ =	shalt  }
0x6b: {  	_ =	shalt  }
0x6c: {  	_ =	shalt  }
0x6d: {  	_ =	shalt  }
0x6e: {  	_ =	shalt  }
0x6f: {  	_ =	shalt  }
0x70: {  	_ =	shalt  }
0x71: {  	_ =	shalt  }
0x72: {  	_ =	shalt  }
0x73: {  	_ =	shalt  }
0x74: {  	_ =	shalt  }
0x75: {  	_ =	shalt  }
0x76: {  	_ =	shalt  }
0x77: {  	_ =	shalt  }
0x78: {  	_ =	shalt  }
0x79: {  	_ =	shalt  }
0x7a: {  	_ =	shalt  }
0x7b: {  	_ =	shalt  }
0x7c: {  	_ =	shalt  }
0x7d: {  	_ =	shalt  }
0x7e: {  	_ =	shalt  }
0x7f: {  	_ =	shalt  }
0x80: {  	_ =	shalt  }
0x81: {  	_ =	shalt  }
0x82: {  	_ =	shalt  }
0x83: {  	_ =	shalt  }
0x84: {  	_ =	shalt  }
0x85: {  	_ =	shalt  }
0x86: {  	_ =	shalt  }
0x87: {  	_ =	shalt  }
.Lfunc_end0:
.L_simem_size_0:
called_computation_lowered:
.L_overlay_start_0:
0x88: {  	s2 =	sld [smem:$0x3FD9]  }
0x89: {  	s3 =	sld [smem:$0x3FFE];
	_ =	sdelay $0x1  }
0x8a: {  	s1 =	srdreg.scid  }
0x8b: {  	s0 =	sand.u32 $0x1, s1  }
0x8c: {  	s17 =	sshll.u32 s0, $0xA;
	s2 =	sadd.s32 s3, s2  }
0x8d: {  	s2 =	sadd.s32 s2, s17  }
0x8e: {  	[smem:$0x3FC4] =	sst s2  }
0x8f: {  	_ = 	snop  }
0x90: {  	s2 =	sld [smem:$0x3FC9]  }
0x91: {  	s18 =	sld [smem:$0x3FC8]  }
0x92: {  	s4 =	sld [smem:$0x3FC7]  }
0x93: {  	s5 =	sld [smem:$0x3FC6];
	(tm) =	ssettm $0x1  }
0x94: {  	s6 =	sld [smem:$0x3FFB];
	_ =	sdelay $0x3  }
0x95: {  	_ =	strace s6  }
0x96: {  	s6 =	sld [smem:$0x3FFC];
	_ =	sdelay $0x3  }
0x97: {  	_ =	strace s6  }
0x98: {  	s6 =	sld [smem:$0x3FFD];
	_ =	sdelay $0x3  }
0x99: {  	_ =	strace s6  }
0x9a: {  	_ =	strace $0x8FFFFFFF  }
0x9b: {  	s19 =	sld [smem:$0x3FDB];
	_ =	sdelay $0x1  }
0x9c: {  	s7 =	simm.s32 $_scs_section_size  }
0x9d: {  	s8 =	simm.s32 $_size__tile_overlayer_lowered;
	s9 =	simm.s32 $_tile_overlayer_lowered  }
0x9e: {  	s22 =	simm.s32 $0x1BFF;
	s21 =	sshll.u32 s9, $0x1;
	s6 =	sadd.s32 s7, s19  }
0x9f: {  	s10 =	simm.s32 $0x0;
	s20 =	sshll.u32 s8, $0x1;
	s8 =	sadd.s32 s21, s6  }
0xa0: {  	[timem:s10], [sflag:s22] =	dma.local [hbm:s8], s20  }
0xa1: {  	_ =	swait.ge [sflag:s22], s20  }
0xa2: {  	s7 =	ssub.s32 $0x0, s20;
	[sflag:s22] =	ssyncset.done $0x0  }
0xa3: {  	[sflag:s22] =	ssyncadd.s32 s7;
	_ =	sdelay $0x1  }
0xa4: {  	s23 =	simm.s32 $0x1B8B  }
0xa5: {  	_ =	swait.ge [sflag:s23], $0x1  }
0xa6: {  	[sflag:s23] =	ssyncset.done $0x0  }
0xa7: {  	s25 =	simm.s32 $0x1B8E;
	s24 =	sld [smem:$0x3FFE];
	[sflag:s23] =	ssyncadd.s32 $0xFFFFFFFF  }
0xa8: {  	s26 =	simm.s32 $execute0_lowered;
	[smem:$0x3FD2] =	sst s25  }
0xa9: {  	s8 =	sshll.u32 s26, $0x1;
	_ =	strace $0x80000046;
	[dreg:$0x1] =	wrdreg $0xFFFFFFFF  }
0xaa: {  	s28 =	simm.s32 $_size_execute0_lowered;
	s6 =	sadd.s32 s6, s8;
	[dreg:$0x0] =	wrdreg $0x0  }
0xab: {  	s8 =	sshll.u32 s28, $0x1;
	[dreg:$0x2] =	wrdreg s6  }
0xac: {  	[dreg:$0x3] =	wrdreg s8  }
0xad: {  	[dreg:$0x4] =	wrdreg $0xC0  }
0xae: {  	_ =	task [dreg:s10], $0x5FFFF  }
0xaf: {  	[dreg:$0x1] =	wrdreg $0xFFFFFFFF  }
0xb0: {  	[dreg:$0x0] =	wrdreg $0x60  }
0xb1: {  	[dreg:$0x2] =	wrdreg s2  }
0xb2: {  	[dreg:$0x3] =	wrdreg s18  }
0xb3: {  	[dreg:$0x4] =	wrdreg s4  }
0xb4: {  	[dreg:$0x5] =	wrdreg s5  }
0xb5: {  	[dreg:$0x6] =	wrdreg s24  }
0xb6: {  	[dreg:$0x7] =	wrdreg $0x9  }
0xb7: {  	_ =	task.clear_ibuf [dreg:s10], $0x8FFFF;
	_ =	strace $0x90000046  }
0xb8: {  	s29 =	simm.s32 $0x9;
	_ =	strace $0x80000048  }
0xb9: {  	_ =	swait.ge [sflag:s29], $0x1  }
0xba: {  	[sflag:s29] =	ssyncadd.s32 $0xFFFFFFFF  }
0xbb: {  	_ =	strace $0x90000048  }
0xbc: {  	_ =	sfence  }
0xbd: {  	s30 =	sld [smem:$0x0];
	_ =	sdelay $0x2  }
0xbe: {  	s31 =	sshll.u32 s1, $0xD;
	s1 =	sshrl.u32 s1, $0x2  }
0xbf: {  	s3 =	sand.u32 $0x4000, s31;
	s1 =	sadd.s32 s1, s30  }
0xc0: {  	s0 =	sor.u32 s3, s0;
	s1 =	sshll.u32 s1, $0x11  }
0xc1: {  	s0 =	sor.u32 s1, s0  }
0xc2: {  	s0 =	sadd.s32 $0x8F2B, s0  }
0xc3: {  	[sflag:s0] =	ssyncadd.remote.s32 $0x1  }
0xc4: {  	_ =	sfence.sel $0xFFFF  }
0xc5: {  	[dreg:$0x0] =	wrdreg $0xFFFFFFFF;
	(pc) =	sbr.abs _section_cstart, $3  }
0xc6: {  	[dreg:$0x1] =	wrdreg $0xFFFFFFFF  }
0xc7: {  	_ =	task.clear_ibuf [dreg:s10], $0x2FFFF;
	_ =	strace $0x9FFFFFFF  }
0xc8: {  	(tm) =	ssettm $0x7FFFFFFF  }
0xc9: {  	_ =	shalt  }
tec
execute0_lowered:
.L_overlay_start_1:
0x0: {  	(tag) =	ssettag $0x1  }
0x1: {  	s0 =	rddreg [dreg:$0x0]  }
0x2: {  	s3 =	rddreg [dreg:$0x1]  }
0x3: {  	s1 =	rddreg [dreg:$0x2]  }
0x4: {  	s2 =	rddreg [dreg:$0x3]  }
0x5: {  	s8 =	rddreg [dreg:$0x4];
	s5 =	srdreg.scid;
	s4 =	simm.s32 $0x0  }
0x6: {  	s10 =	stileid.u32;
	s12 =	simm.s32 $0x400;
	s13 =	simm.s32 $0x8  }
0x7: {  	s14 =	simm.s32 $0x80;
	s15 =	simm.s32 $0xC400;
	s18 =	simm.s32 $0x100  }
0x8: {  	s20 =	simm.s32 $0x180;
	s28 =	simm.s32 $0x2;
	s29 =	simm.s32 $0x5  }
0x9: {  	s30 =	simm.s32 $0x3;
	s31 =	simm.s32 $0x6;
	s16 =	simm.s32 $0x18400  }
0xa: {  	s17 =	simm.s32 $0x0;
	s5 =	sand.u32 $0x1, s5;
	[smem:$0x7FF] =	sst s4  }
0xb: {  	s24 =	sshll.u32 s10, $0x4;
	s6 =	ssub.s32 $0x2, s5;
	s5 =	sshll.u32 s5, $0x4  }
0xc: {  	_ =	strace $0x80000047;
	s26 =	sand.u32 $0x70, s24;
	s7 =	sshrl.u32 s6, $0x1  }
0xd: {  	s24 =	simm.s32 $0x1;
	s9 =	sor.u32 s10, s5;
	s11 =	ssub.s32 s6, s7  }
0xe: {  	s5 =	sshll.u32 s9, $0xD;
	s23 =	sshll.u32 s9, $0x6;
	s25 =	sshll.u32 s9, $0x4  }
0xf: {  	s5 =	sadd.s32 s0, s5;
	s6 =	sadd.s32 s3, s23;
	s0 =	sand.u32 $0x180, s25  }
0x10: {  	s3 =	sadd.s32 s8, s26;
	s11 =	smax.u32 s11, $0x1;
	s26 =	simm.s32 $0x14400  }
0x11: {  	s7 =	sadd.s32 $0x800, s5;
	s8 =	sadd.s32 $0x1000, s5;
	s9 =	sadd.s32 $0x1800, s5  }
0x12: {  	s10 =	sadd.s32 s0, s3;
	s0 =	simm.s32 $0x4;
	s3 =	simm.s32 $0x7  }
.LBB2_1:
0x13: {  	[tilespmem:s12], [sflag:$0x2] =	stream.linear.gather [hbm4b:s5+s4], $0x4000, $0x38;
	[tilespmem:$0x18480] =	vst v63  }
0x14: {  	_ = 	snop  }
0x15: {  	[tilespmem:s4], [sflag:$0x8] =	stream.linear.gather [hbm4b:s6+s4], $0x200, $0x38;
	[tilespmem:$0x18480] =	vst v63  }
0x16: {  	_ =	swait.ge [sflag:s13], $0x200  }
0x17: {  	[sflag:s13] =	ssyncset.done $0x0  }
0x18: {  	[sflag:s13] =	ssyncadd.s32 $0xFFFFFE00  }
0x19: {  	[tilespmem:s15], [sflag:$0x5] =	stream.indirect.gather [hbm4b:s1+s14], $0x80, s4, s14, $0xb8;
	[tilespmem:$0x18480] =	vst v63  }
0x1a: {  	s19 =	simm.s32 $0x200  }
0x1b: {  	[tilespmem:s19], [sflag:$0x1] =	stream.indirect.gather [hbm4b:s2+s14], $0x1, s4, s14, $0xb8;
	[tilespmem:$0x18480] =	vst v63  }
0x1c: {  	s22 =	simm.s32 $0x280  }
0x1d: {  	[tilespmem:s22], [sflag:$0x1] =	stream.indirect.gather [hbm4b:s2+s14], $0x1, s14, s14, $0xb8;
	[tilespmem:$0x18480] =	vst v63  }
0x1e: {  	s23 =	simm.s32 $0x300  }
0x1f: {  	[tilespmem:s23], [sflag:$0x1] =	stream.indirect.gather [hbm4b:s2+s14], $0x1, s18, s14, $0xb8;
	[tilespmem:$0x18480] =	vst v63  }
0x20: {  	s25 =	simm.s32 $0x380  }
0x21: {  	[tilespmem:s25], [sflag:$0x1] =	stream.indirect.gather [hbm4b:s2+s14], $0x1, s20, s14, $0xb8;
	[tilespmem:$0x18480] =	vst v63  }
0x22: {  	s21 =	simm.s32 $0x4400  }
0x23: {  	[tilespmem:s21], [sflag:$0x3] =	stream.linear.gather [hbm4b:s7+s4], $0x4000, $0x38;
	[tilespmem:$0x18480] =	vst v63  }
0x24: {  	s22 =	simm.s32 $0x10400  }
0x25: {  	[tilespmem:s22], [sflag:$0x6] =	stream.indirect.gather [hbm4b:s1+s14], $0x80, s14, s14, $0xb8;
	[tilespmem:$0x18480] =	vst v63  }
0x26: {  	_ =	swait.ge [sflag:s24], $0x80  }
0x27: {  	[sflag:s24] =	ssyncset.done $0x0  }
0x28: {  	[sflag:s24] =	ssyncadd.s32 $0xFFFFFF80  }
0x29: {  	_ =	swait.ge [sflag:s24], $0x80  }
0x2a: {  	[sflag:s24] =	ssyncset.done $0x0  }
0x2b: {  	[sflag:s24] =	ssyncadd.s32 $0xFFFFFF80  }
0x2c: {  	_ =	swait.ge [sflag:s24], $0x80  }
0x2d: {  	[sflag:s24] =	ssyncset.done $0x0  }
0x2e: {  	[sflag:s24] =	ssyncadd.s32 $0xFFFFFF80  }
0x2f: {  	_ =	swait.ge [sflag:s24], $0x80  }
0x30: {  	[sflag:s24] =	ssyncset.done $0x0  }
0x31: {  	s23 =	simm.s32 $0x8400;
	[sflag:s24] =	ssyncadd.s32 $0xFFFFFF80  }
0x32: {  	[tilespmem:s23], [sflag:$0x4] =	stream.linear.gather [hbm4b:s8+s4], $0x4000, $0x38;
	[tilespmem:$0x18480] =	vst v63  }
0x33: {  	_ = 	snop  }
0x34: {  	[tilespmem:s26], [sflag:$0x7] =	stream.indirect.gather [hbm4b:s1+s14], $0x80, s18, s14, $0xb8;
	[tilespmem:$0x18480] =	vst v63  }
0x35: {  	_ =	swait.ge [sflag:s28], $0x4000  }
0x36: {  	[sflag:s28] =	ssyncset.done $0x0  }
0x37: {  	[sflag:s28] =	ssyncadd.s32 $0xFFFFC000  }
0x38: {  	_ =	swait.ge [sflag:s29], $0x4000  }
0x39: {  	[sflag:s29] =	ssyncset.done $0x0  }
0x3a: {  	s25 =	sand.u32 $0x70, s4;
	[sflag:s29] =	ssyncadd.s32 $0xFFFFC000  }
0x3b: {  	v0 =	vld [tilespmem:s25+$0x200]  }
0x3c: {  	s21 =	simm.s32 $0xC440  }
0x3d: {  	s19 =	simm.s32 $0x440;
	v1 =	vld [tilespmem:s21+$0xFFFFFFC0]  }
0x3e: {  	v2 =	vld [tilespmem:s19+$0xFFFFFFC0]  }
0x3f: {  	v3 =	vmov s4;
	v4 =	vld [tilespmem:s21+$0xFFFFFFD0]  }
0x40: {  	v5 =	vld [tilespmem:s21+$0xFFFFFFE0];
	v0 =	vperm.xlane v0, v3  }
0x41: {  	v3 =	vld [tilespmem:s19+$0xFFFFFFD0]  }
0x42: {  	v6 =	vld [tilespmem:s21+$0xFFFFFFF0];
	v1 =	vmul.f32 v1, v0  }
0x43: {  	v7 =	vld [tilespmem:s19+$0xFFFFFFE0]  }
0x44: {  	v8 =	vld [tilespmem:s21+$0x0];
	v1 =	vsub.f32 v2, v1;
	v2 =	vmul.f32 v4, v0  }
0x45: {  	v10 =	vld [tilespmem:s19+$0xFFFFFFF0]  }
0x46: {  	v11 =	vld [tilespmem:s21+$0x10];
	v5 =	vmul.f32 v5, v0;
	v1 =	vmul.f32 v1, v1;
	v2 =	vsub.f32 v3, v2  }
0x47: {  	v12 =	vmul.f32 v6, v0;
	v4 =	vimm.f32 $0.0e+00;
	v3 =	vld [tilespmem:s19+$0x0]  }
0x48: {  	v5 =	vsub.f32 v7, v5;
	v1 =	vadd.f32 v1, v4;
	v9 =	vmul.f32 v2, v2;
	v4 =	vld [tilespmem:s21+$0x20]  }
0x49: {  	v6 =	vmul.f32 v8, v0;
	v2 =	vld [tilespmem:s19+$0x10]  }
0x4a: {  	s22 =	simm.s32 $0x1;
	v10 =	vsub.f32 v10, v12;
	v8 =	vadd.f32 v9, v1;
	v1 =	vld [tilespmem:s21+$0x30];
	v9 =	vmul.f32 v5, v5  }
0x4b: {  	s23 =	simm.s32 $0x2;
	s25 =	sand.u32 $0x70, s22;
	v7 =	vmul.f32 v11, v0;
	v5 =	vld [tilespmem:s19+$0x20]  }
.LBB2_2:
0x4c: {  	p0 =	sne.s32 s23, $0x7F;
	v11 =	vld [tilespmem:s25+$0x200];
	v8 =	vadd.f32 v9, v8;
	v9 =	vmul.f32 v10, v10;
	v3 =	vsub.f32 v3, v6  }
0x4d: {  	s21 =	sadd.s32 $0x80, s21;
	v4 =	vmul.f32 v4, v0;
	v6 =	vld [tilespmem:s19+$0x30]  }
0x4e: {  	s19 =	sadd.s32 $0x80, s19;
	v10 =	vld [tilespmem:s21+$0xFFFFFFC0];
	v8 =	vadd.f32 v9, v8;
	v3 =	vmul.f32 v3, v3;
	v2 =	vsub.f32 v2, v7  }
0x4f: {  	v7 =	vmov s22;
	s22 =	smov.u32 s23;
	v9 =	vld [tilespmem:s19+$0xFFFFFFC0];
	v1 =	vmul.f32 v1, v0  }
0x50: {  	v12 =	vld [tilespmem:s21+$0xFFFFFFD0];
	v3 =	vadd.f32 v3, v8;
	v2 =	vmul.f32 v2, v2;
	v4 =	vsub.f32 v5, v4  }
0x51: {  	v0 =	vperm.xlane v11, v7;
	v5 =	vld [tilespmem:s19+$0xFFFFFFD0]  }
0x52: {  	v7 =	vld [tilespmem:s21+$0xFFFFFFE0];
	v2 =	vadd.f32 v2, v3;
	v3 =	vmul.f32 v4, v4;
	v1 =	vsub.f32 v6, v1  }
0x53: {  	v4 =	vmul.f32 v10, v0;
	v6 =	vld [tilespmem:s21+$0xFFFFFFF0]  }
0x54: {  	v8 =	vld [tilespmem:s19+$0xFFFFFFE0];
	v2 =	vadd.f32 v3, v2;
	v1 =	vmul.f32 v1, v1  }
0x55: {  	v3 =	vsub.f32 v9, v4;
	v4 =	vmul.f32 v12, v0;
	v9 =	vld [tilespmem:s21+$0x0]  }
0x56: {  	v10 =	vld [tilespmem:s19+$0xFFFFFFF0];
	v1 =	vadd.f32 v1, v2  }
0x57: {  	v2 =	vmul.f32 v3, v3;
	v4 =	vsub.f32 v5, v4;
	v5 =	vmul.f32 v7, v0;
	v7 =	vld [tilespmem:s21+$0x10]  }
.Ltmp0:
0x58: {  	v11 =	vmul.f32 v6, v0;
	v3 =	vld [tilespmem:s19+$0x0];
	(pc) =	sbr.rel @p0 .LBB2_2-.Ltmp0, $4  }
0x59: {  	v1 =	vadd.f32 v2, v1;
	v12 =	vmul.f32 v4, v4;
	v5 =	vsub.f32 v8, v5;
	v4 =	vld [tilespmem:s21+$0x20]  }
0x5a: {  	v6 =	vmul.f32 v9, v0;
	v2 =	vld [tilespmem:s19+$0x10]  }
0x5b: {  	v8 =	vadd.f32 v12, v1;
	v9 =	vmul.f32 v5, v5;
	v10 =	vsub.f32 v10, v11;
	v1 =	vld [tilespmem:s21+$0x30]  }
0x5c: {  	s23 =	sadd.s32 $0x1, s23;
	s25 =	sand.u32 $0x70, s22;
	v7 =	vmul.f32 v7, v0;
	v5 =	vld [tilespmem:s19+$0x20]  }
0x5d: {  	v11 =	vld [tilespmem:s25+$0x200]  }
0x5e: {  	v12 =	vld [tilespmem:s19+$0x30];
	s21 =	sadd.s32 $0x80, s21  }
0x5f: {  	s25 =	sadd.s32 $0x80, s19;
	v13 =	vld [tilespmem:s21+$0xFFFFFFC0]  }
0x60: {  	v14 =	vld [tilespmem:s25+$0xFFFFFFC0]  }
0x61: {  	v15 =	vld [tilespmem:s21+$0xFFFFFFD0]  }
0x62: {  	v16 =	vld [tilespmem:s25+$0xFFFFFFD0]  }
0x63: {  	v17 =	vld [tilespmem:s21+$0xFFFFFFE0]  }
0x64: {  	v8 =	vadd.f32 v9, v8;
	v9 =	vmul.f32 v10, v10;
	v3 =	vsub.f32 v3, v6;
	v6 =	vld [tilespmem:s21+$0xFFFFFFF0]  }
0x65: {  	v10 =	vld [tilespmem:s25+$0xFFFFFFE0]  }
0x66: {  	v59 =	vld [tilespmem:s21+$0x30];
	v8 =	vadd.f32 v9, v8;
	v3 =	vmul.f32 v3, v3  }
0x67: {  	v4 =	vmul.f32 v4, v0;
	v61 =	vld [tilespmem:s25+$0x30];
	v2 =	vsub.f32 v2, v7  }
0x68: {  	v18 =	vmov s22;
	v9 =	vld [tilespmem:s21+$0x0];
	v0 =	vmul.f32 v1, v0;
	v3 =	vadd.f32 v3, v8  }
0x69: {  	v7 =	vld [tilespmem:s25+$0xFFFFFFF0];
	v2 =	vmul.f32 v2, v2;
	v4 =	vsub.f32 v5, v4;
	v1 =	vperm.xlane v11, v18  }
0x6a: {  	v8 =	vld [tilespmem:s21+$0x10];
	v0 =	vsub.f32 v12, v0  }
0x6b: {  	v5 =	vld [tilespmem:s25+$0x0];
	v2 =	vadd.f32 v2, v3;
	v3 =	vmul.f32 v4, v4;
	v58 =	vmul.f32 v13, v1  }
0x6c: {  	v11 =	vld [tilespmem:s21+$0x20];
	v0 =	vmul.f32 v0, v0  }
0x6d: {  	s23 =	simm.s32 $0x0;
	v4 =	vld [tilespmem:s25+$0x10];
	v60 =	vmul.f32 v15, v1;
	v2 =	vadd.f32 v3, v2;
	v12 =	vsub.f32 v14, v58  }
0x6e: {  	v3 =	vld [tilespmem:s25+$0x20];
	[tilespmem:s12], [sflag:$0x2] =	stream.linear.gather [hbm4b:s9+s23], $0x4000, $0x38  }
0x6f: {  	v0 =	vadd.f32 v0, v2;
	v2 =	vsub.f32 v16, v60;
	v12 =	vmul.f32 v12, v12  }
0x70: {  	v62 =	vmul.f32 v17, v1;
	[tilespmem:s15], [sflag:$0x5] =	stream.indirect.gather [hbm4b:s1+s14], $0x80, s20, s14, $0xb8;
	[tilespmem:$0x18480] =	vst v63  }
0x71: {  	_ =	swait.ge [sflag:s30], $0x4000;
	v2 =	vmul.f32 v2, v2;
	v0 =	vadd.f32 v12, v0  }
0x72: {  	v6 =	vmul.f32 v6, v1;
	v10 =	vsub.f32 v10, v62;
	[sflag:s30] =	ssyncset.done $0x0  }
0x73: {  	[sflag:s30] =	ssyncadd.s32 $0xFFFFC000;
	v0 =	vadd.f32 v2, v0  }
0x74: {  	_ =	swait.ge [sflag:s31], $0x4000;
	v2 =	vsub.f32 v7, v6;
	v6 =	vmul.f32 v9, v1;
	v7 =	vmul.f32 v10, v10  }
0x75: {  	[sflag:s31] =	ssyncset.done $0x0  }
0x76: {  	s25 =	sand.u32 $0x70, s23;
	[sflag:s31] =	ssyncadd.s32 $0xFFFFC000;
	v0 =	vadd.f32 v7, v0;
	v2 =	vmul.f32 v2, v2;
	v5 =	vsub.f32 v5, v6  }
0x77: {  	v6 =	vmul.f32 v8, v1;
	v7 =	vld [tilespmem:s25+$0x280]  }
0x78: {  	s19 =	simm.s32 $0x0;
	v0 =	vadd.f32 v2, v0;
	v2 =	vmul.f32 v5, v5  }
0x79: {  	v5 =	vmul.f32 v11, v1;
	v4 =	vsub.f32 v4, v6;
	v6 =	vld [tilespmem:s19+$0x10400]  }
0x7a: {  	v8 =	vld [tilespmem:s19+$0x4400];
	v1 =	vmul.f32 v59, v1;
	v2 =	vadd.f32 v2, v0  }
0x7b: {  	v4 =	vmul.f32 v4, v4;
	v3 =	vsub.f32 v3, v5;
	v0 =	vmov s23;
	v5 =	vld [tilespmem:s19+$0x10410]  }
0x7c: {  	v0 =	vperm.xlane v7, v0;
	v7 =	vld [tilespmem:s19+$0x4410]  }
0x7d: {  	v1 =	vsub.f32 v61, v1;
	v2 =	vadd.f32 v4, v2;
	v3 =	vmul.f32 v3, v3;
	v4 =	vld [tilespmem:s19+$0x10420]  }
0x7e: {  	v9 =	vld [tilespmem:s19+$0x10430];
	v6 =	vmul.f32 v6, v0  }
0x7f: {  	v10 =	vld [tilespmem:s19+$0x4420];
	v1 =	vmul.f32 v1, v1;
	v2 =	vadd.f32 v3, v2  }
0x80: {  	v11 =	vld [tilespmem:s19+$0x4430];
	v3 =	vsub.f32 v8, v6;
	v5 =	vmul.f32 v5, v0  }
0x81: {  	v6 =	vld [tilespmem:s19+$0x10440];
	v1 =	vadd.f32 v1, v2  }
0x82: {  	v2 =	vmul.f32 v3, v3;
	v5 =	vsub.f32 v7, v5;
	v7 =	vld [tilespmem:s19+$0x10450];
	v8 =	vmul.f32 v4, v0  }
0x83: {  	v63 =	vmul.f32 v9, v0;
	v3 =	vld [tilespmem:s19+$0x4440]  }
0x84: {  	v4 =	vld [tilespmem:s19+$0x10460];
	v1 =	vadd.f32 v2, v1;
	v5 =	vmul.f32 v5, v5;
	v9 =	vsub.f32 v10, v8  }
0x85: {  	v2 =	vld [tilespmem:s19+$0x4450];
	v10 =	vsub.f32 v11, v63  }
0x86: {  	s21 =	simm.s32 $0x1;
	v6 =	vmul.f32 v6, v0;
	v8 =	vadd.f32 v5, v1;
	v1 =	vld [tilespmem:s19+$0x10470];
	v9 =	vmul.f32 v9, v9  }
0x87: {  	s22 =	simm.s32 $0x200;
	s25 =	sand.u32 $0x70, s21;
	s23 =	simm.s32 $0x400;
	v5 =	vld [tilespmem:s19+$0x4460];
	v7 =	vmul.f32 v7, v0  }
.LBB2_4:
0x88: {  	p0 =	sne.s32 s23, $0xFE00;
	v11 =	vld [tilespmem:s25+$0x280];
	v8 =	vadd.f32 v9, v8;
	v9 =	vmul.f32 v10, v10;
	v3 =	vsub.f32 v3, v6  }
0x89: {  	v4 =	vmul.f32 v4, v0;
	v6 =	vld [tilespmem:s19+$0x4470];
	s19 =	sshra.s32 s22, $0x2;
	s22 =	smov.u32 s23  }
0x8a: {  	v10 =	vld [tilespmem:s19+$0x10400];
	v8 =	vadd.f32 v9, v8;
	v3 =	vmul.f32 v3, v3;
	v2 =	vsub.f32 v2, v7  }
0x8b: {  	v7 =	vmov s21;
	v9 =	vld [tilespmem:s19+$0x4400];
	v1 =	vmul.f32 v1, v0  }
0x8c: {  	v12 =	vld [tilespmem:s19+$0x10410];
	v3 =	vadd.f32 v3, v8;
	v2 =	vmul.f32 v2, v2;
	v4 =	vsub.f32 v5, v4  }
0x8d: {  	v0 =	vperm.xlane v11, v7;
	v5 =	vld [tilespmem:s19+$0x4410]  }
0x8e: {  	v7 =	vld [tilespmem:s19+$0x10420];
	v2 =	vadd.f32 v2, v3;
	v3 =	vmul.f32 v4, v4;
	v1 =	vsub.f32 v6, v1  }
0x8f: {  	v4 =	vmul.f32 v10, v0;
	v6 =	vld [tilespmem:s19+$0x10430]  }
0x90: {  	v8 =	vld [tilespmem:s19+$0x4420];
	v2 =	vadd.f32 v3, v2;
	v1 =	vmul.f32 v1, v1  }
0x91: {  	v3 =	vsub.f32 v9, v4;
	v4 =	vmul.f32 v12, v0;
	v9 =	vld [tilespmem:s19+$0x10440]  }
0x92: {  	v10 =	vld [tilespmem:s19+$0x4430];
	v1 =	vadd.f32 v1, v2  }
0x93: {  	v2 =	vmul.f32 v3, v3;
	v4 =	vsub.f32 v5, v4;
	v5 =	vmul.f32 v7, v0;
	v7 =	vld [tilespmem:s19+$0x10450]  }
.Ltmp1:
0x94: {  	v11 =	vmul.f32 v6, v0;
	v3 =	vld [tilespmem:s19+$0x4440];
	(pc) =	sbr.rel @p0 .LBB2_4-.Ltmp1, $4  }
0x95: {  	v1 =	vadd.f32 v2, v1;
	v12 =	vmul.f32 v4, v4;
	v5 =	vsub.f32 v8, v5;
	v4 =	vld [tilespmem:s19+$0x10460]  }
0x96: {  	v6 =	vmul.f32 v9, v0;
	v2 =	vld [tilespmem:s19+$0x4450]  }
0x97: {  	s21 =	sadd.s32 $0x1, s21;
	v8 =	vadd.f32 v12, v1;
	v9 =	vmul.f32 v5, v5;
	v10 =	vsub.f32 v10, v11;
	v1 =	vld [tilespmem:s19+$0x10470]  }
0x98: {  	s23 =	sadd.s32 $0x200, s23;
	s25 =	sand.u32 $0x70, s21;
	v7 =	vmul.f32 v7, v0;
	v5 =	vld [tilespmem:s19+$0x4460]  }
0x99: {  	v11 =	vld [tilespmem:s25+$0x280]  }
0x9a: {  	s22 =	sshra.s32 s22, $0x2;
	v12 =	vld [tilespmem:s19+$0x4470]  }
0x9b: {  	v13 =	vld [tilespmem:s22+$0x10400]  }
0x9c: {  	v14 =	vld [tilespmem:s22+$0x4400]  }
0x9d: {  	v3 =	vsub.f32 v3, v6;
	v6 =	vld [tilespmem:s22+$0x10410]  }
0x9e: {  	v8 =	vadd.f32 v9, v8;
	v9 =	vmul.f32 v10, v10;
	v10 =	vld [tilespmem:s22+$0x4410]  }
0x9f: {  	v58 =	vld [tilespmem:s22+$0x4440]  }
0xa0: {  	v59 =	vld [tilespmem:s22+$0x4450]  }
0xa1: {  	v60 =	vld [tilespmem:s22+$0x10470];
	v8 =	vadd.f32 v9, v8;
	v3 =	vmul.f32 v3, v3  }
0xa2: {  	v4 =	vmul.f32 v4, v0;
	v61 =	vld [tilespmem:s22+$0x4470];
	v2 =	vsub.f32 v2, v7  }
0xa3: {  	v15 =	vmov s21;
	v9 =	vld [tilespmem:s22+$0x10420];
	v0 =	vmul.f32 v1, v0;
	v3 =	vadd.f32 v3, v8  }
0xa4: {  	v7 =	vld [tilespmem:s22+$0x10430];
	v2 =	vmul.f32 v2, v2;
	v4 =	vsub.f32 v5, v4;
	v1 =	vperm.xlane v11, v15  }
0xa5: {  	v8 =	vld [tilespmem:s22+$0x4420];
	v0 =	vsub.f32 v12, v0  }
0xa6: {  	v5 =	vld [tilespmem:s22+$0x10440];
	v2 =	vadd.f32 v2, v3;
	v3 =	vmul.f32 v4, v4;
	v57 =	vmul.f32 v13, v1  }
0xa7: {  	v11 =	vld [tilespmem:s22+$0x4430];
	v0 =	vmul.f32 v0, v0  }
0xa8: {  	v4 =	vld [tilespmem:s22+$0x10450];
	v6 =	vmul.f32 v6, v1;
	v2 =	vadd.f32 v3, v2;
	v12 =	vsub.f32 v14, v57  }
0xa9: {  	v9 =	vmul.f32 v9, v1;
	v3 =	vld [tilespmem:s22+$0x10460]  }
0xaa: {  	v6 =	vsub.f32 v10, v6;
	v10 =	vld [tilespmem:s22+$0x4460];
	_ =	swait.ge [sflag:s0], $0x4000;
	v0 =	vadd.f32 v0, v2;
	v2 =	vmul.f32 v12, v12  }
0xab: {  	v7 =	vmul.f32 v7, v1;
	[sflag:s0] =	ssyncset.done $0x0  }
0xac: {  	[sflag:s0] =	ssyncadd.s32 $0xFFFFC000;
	v0 =	vadd.f32 v2, v0;
	v2 =	vmul.f32 v6, v6;
	v6 =	vsub.f32 v8, v9  }
0xad: {  	v5 =	vmul.f32 v5, v1;
	_ =	swait.ge [sflag:s3], $0x4000  }
0xae: {  	s23 =	simm.s32 $0x0;
	[sflag:s3] =	ssyncset.done $0x0;
	v0 =	vadd.f32 v2, v0;
	v2 =	vsub.f32 v11, v7;
	v6 =	vmul.f32 v6, v6  }
0xaf: {  	s25 =	sand.u32 $0x70, s23;
	v4 =	vmul.f32 v4, v1;
	[sflag:s3] =	ssyncadd.s32 $0xFFFFC000  }
0xb0: {  	v5 =	vsub.f32 v58, v5;
	v0 =	vadd.f32 v6, v0;
	v2 =	vmul.f32 v2, v2;
	v6 =	vld [tilespmem:s25+$0x300]  }
0xb1: {  	s19 =	simm.s32 $0x0;
	v4 =	vsub.f32 v59, v4  }
0xb2: {  	v3 =	vmul.f32 v3, v1;
	v0 =	vadd.f32 v2, v0;
	v2 =	vmul.f32 v5, v5;
	v5 =	vld [tilespmem:s19+$0x14400]  }
0xb3: {  	v1 =	vmul.f32 v60, v1;
	v7 =	vld [tilespmem:s19+$0x8400];
	v4 =	vmul.f32 v4, v4  }
0xb4: {  	v3 =	vsub.f32 v10, v3;
	v8 =	vld [tilespmem:s19+$0x14410];
	v2 =	vadd.f32 v2, v0;
	v0 =	vmov s23  }
0xb5: {  	v0 =	vperm.xlane v6, v0;
	v6 =	vld [tilespmem:s19+$0x8410]  }
0xb6: {  	v1 =	vsub.f32 v61, v1;
	v3 =	vmul.f32 v3, v3;
	v2 =	vadd.f32 v4, v2;
	v4 =	vld [tilespmem:s19+$0x14420]  }
0xb7: {  	v9 =	vld [tilespmem:s19+$0x14430];
	v5 =	vmul.f32 v5, v0  }
0xb8: {  	v10 =	vld [tilespmem:s19+$0x8420];
	v1 =	vmul.f32 v1, v1;
	v2 =	vadd.f32 v3, v2  }
0xb9: {  	v11 =	vld [tilespmem:s19+$0x8430];
	v3 =	vsub.f32 v7, v5;
	v5 =	vmul.f32 v8, v0  }
0xba: {  	v7 =	vld [tilespmem:s19+$0x14440];
	v1 =	vadd.f32 v1, v2  }
0xbb: {  	v62 =	vld [tilespmem:s19+$0x14450];
	v2 =	vmul.f32 v3, v3;
	v5 =	vsub.f32 v6, v5;
	v6 =	vmul.f32 v4, v0  }
0xbc: {  	v63 =	vmul.f32 v9, v0;
	v3 =	vld [tilespmem:s19+$0x8440]  }
0xbd: {  	v4 =	vld [tilespmem:s19+$0x14460];
	v1 =	vadd.f32 v2, v1;
	v5 =	vmul.f32 v5, v5;
	v9 =	vsub.f32 v10, v6  }
0xbe: {  	v2 =	vld [tilespmem:s19+$0x8450];
	v10 =	vsub.f32 v11, v63  }
0xbf: {  	s21 =	simm.s32 $0x1;
	v6 =	vmul.f32 v7, v0;
	v8 =	vadd.f32 v5, v1;
	v1 =	vld [tilespmem:s19+$0x14470];
	v9 =	vmul.f32 v9, v9  }
0xc0: {  	s22 =	simm.s32 $0x200;
	s25 =	sand.u32 $0x70, s21;
	s23 =	simm.s32 $0x400;
	v7 =	vmul.f32 v62, v0;
	v5 =	vld [tilespmem:s19+$0x8460]  }
.LBB2_6:
0xc1: {  	p0 =	sne.s32 s23, $0xFE00;
	v11 =	vld [tilespmem:s25+$0x300];
	v8 =	vadd.f32 v9, v8;
	v9 =	vmul.f32 v10, v10;
	v3 =	vsub.f32 v3, v6  }
0xc2: {  	v4 =	vmul.f32 v4, v0;
	v6 =	vld [tilespmem:s19+$0x8470];
	s19 =	sshra.s32 s22, $0x2;
	s22 =	smov.u32 s23  }
0xc3: {  	v10 =	vld [tilespmem:s19+$0x14400];
	v8 =	vadd.f32 v9, v8;
	v3 =	vmul.f32 v3, v3;
	v2 =	vsub.f32 v2, v7  }
0xc4: {  	v7 =	vmov s21;
	v9 =	vld [tilespmem:s19+$0x8400];
	v1 =	vmul.f32 v1, v0  }
0xc5: {  	v12 =	vld [tilespmem:s19+$0x14410];
	v3 =	vadd.f32 v3, v8;
	v2 =	vmul.f32 v2, v2;
	v4 =	vsub.f32 v5, v4  }
0xc6: {  	v0 =	vperm.xlane v11, v7;
	v5 =	vld [tilespmem:s19+$0x8410]  }
0xc7: {  	v7 =	vld [tilespmem:s19+$0x14420];
	v2 =	vadd.f32 v2, v3;
	v3 =	vmul.f32 v4, v4;
	v1 =	vsub.f32 v6, v1  }
0xc8: {  	v4 =	vmul.f32 v10, v0;
	v6 =	vld [tilespmem:s19+$0x14430]  }
0xc9: {  	v8 =	vld [tilespmem:s19+$0x8420];
	v2 =	vadd.f32 v3, v2;
	v1 =	vmul.f32 v1, v1  }
0xca: {  	v3 =	vsub.f32 v9, v4;
	v4 =	vmul.f32 v12, v0;
	v9 =	vld [tilespmem:s19+$0x14440]  }
0xcb: {  	v10 =	vld [tilespmem:s19+$0x8430];
	v1 =	vadd.f32 v1, v2  }
0xcc: {  	v2 =	vmul.f32 v3, v3;
	v4 =	vsub.f32 v5, v4;
	v5 =	vmul.f32 v7, v0;
	v7 =	vld [tilespmem:s19+$0x14450]  }
.Ltmp2:
0xcd: {  	v11 =	vmul.f32 v6, v0;
	v3 =	vld [tilespmem:s19+$0x8440];
	(pc) =	sbr.rel @p0 .LBB2_6-.Ltmp2, $4  }
0xce: {  	v1 =	vadd.f32 v2, v1;
	v12 =	vmul.f32 v4, v4;
	v5 =	vsub.f32 v8, v5;
	v4 =	vld [tilespmem:s19+$0x14460]  }
0xcf: {  	v6 =	vmul.f32 v9, v0;
	v2 =	vld [tilespmem:s19+$0x8450]  }
0xd0: {  	s21 =	sadd.s32 $0x1, s21;
	v8 =	vadd.f32 v12, v1;
	v9 =	vmul.f32 v5, v5;
	v10 =	vsub.f32 v10, v11;
	v1 =	vld [tilespmem:s19+$0x14470]  }
0xd1: {  	s23 =	sadd.s32 $0x200, s23;
	s25 =	sand.u32 $0x70, s21;
	v7 =	vmul.f32 v7, v0;
	v5 =	vld [tilespmem:s19+$0x8460]  }
0xd2: {  	v11 =	vld [tilespmem:s25+$0x300]  }
0xd3: {  	s22 =	sshra.s32 s22, $0x2;
	v12 =	vld [tilespmem:s19+$0x8470]  }
0xd4: {  	v13 =	vld [tilespmem:s22+$0x14400]  }
0xd5: {  	v14 =	vld [tilespmem:s22+$0x8400]  }
0xd6: {  	v3 =	vsub.f32 v3, v6;
	v6 =	vld [tilespmem:s22+$0x14410]  }
0xd7: {  	v8 =	vadd.f32 v9, v8;
	v9 =	vmul.f32 v10, v10;
	v10 =	vld [tilespmem:s22+$0x8410]  }
0xd8: {  	v59 =	vld [tilespmem:s22+$0x8440]  }
0xd9: {  	v60 =	vld [tilespmem:s22+$0x8450]  }
0xda: {  	v61 =	vld [tilespmem:s22+$0x14470];
	v8 =	vadd.f32 v9, v8;
	v3 =	vmul.f32 v3, v3  }
0xdb: {  	v4 =	vmul.f32 v4, v0;
	v62 =	vld [tilespmem:s22+$0x8470];
	v2 =	vsub.f32 v2, v7  }
0xdc: {  	v15 =	vmov s21;
	v9 =	vld [tilespmem:s22+$0x14420];
	v0 =	vmul.f32 v1, v0;
	v3 =	vadd.f32 v3, v8  }
0xdd: {  	v7 =	vld [tilespmem:s22+$0x14430];
	v2 =	vmul.f32 v2, v2;
	v4 =	vsub.f32 v5, v4;
	v1 =	vperm.xlane v11, v15  }
0xde: {  	v8 =	vld [tilespmem:s22+$0x8420];
	v0 =	vsub.f32 v12, v0  }
0xdf: {  	v5 =	vld [tilespmem:s22+$0x14440];
	v2 =	vadd.f32 v2, v3;
	v3 =	vmul.f32 v4, v4;
	v58 =	vmul.f32 v13, v1  }
0xe0: {  	v11 =	vld [tilespmem:s22+$0x8430];
	v0 =	vmul.f32 v0, v0  }
0xe1: {  	v4 =	vld [tilespmem:s22+$0x14450];
	v6 =	vmul.f32 v6, v1;
	v2 =	vadd.f32 v3, v2;
	v12 =	vsub.f32 v14, v58  }
0xe2: {  	v9 =	vmul.f32 v9, v1;
	v3 =	vld [tilespmem:s22+$0x14460]  }
0xe3: {  	v6 =	vsub.f32 v10, v6;
	v10 =	vld [tilespmem:s22+$0x8460];
	_ =	swait.ge [sflag:s28], $0x4000;
	v0 =	vadd.f32 v0, v2;
	v2 =	vmul.f32 v12, v12  }
0xe4: {  	v7 =	vmul.f32 v7, v1;
	[sflag:s28] =	ssyncset.done $0x0  }
0xe5: {  	[sflag:s28] =	ssyncadd.s32 $0xFFFFC000;
	v0 =	vadd.f32 v2, v0;
	v2 =	vmul.f32 v6, v6;
	v6 =	vsub.f32 v8, v9  }
0xe6: {  	v5 =	vmul.f32 v5, v1;
	_ =	swait.ge [sflag:s29], $0x4000  }
0xe7: {  	s23 =	simm.s32 $0x0;
	[sflag:s29] =	ssyncset.done $0x0;
	v0 =	vadd.f32 v2, v0;
	v2 =	vsub.f32 v11, v7;
	v6 =	vmul.f32 v6, v6  }
0xe8: {  	s25 =	sand.u32 $0x70, s23;
	v4 =	vmul.f32 v4, v1;
	[sflag:s29] =	ssyncadd.s32 $0xFFFFC000  }
0xe9: {  	v5 =	vsub.f32 v59, v5;
	v0 =	vadd.f32 v6, v0;
	v2 =	vmul.f32 v2, v2;
	v6 =	vld [tilespmem:s25+$0x380]  }
0xea: {  	s21 =	simm.s32 $0xC440;
	v4 =	vsub.f32 v60, v4  }
0xeb: {  	s19 =	simm.s32 $0x440;
	v3 =	vmul.f32 v3, v1;
	v0 =	vadd.f32 v2, v0;
	v2 =	vmul.f32 v5, v5;
	v5 =	vld [tilespmem:s21+$0xFFFFFFC0]  }
0xec: {  	v1 =	vmul.f32 v61, v1;
	v7 =	vld [tilespmem:s19+$0xFFFFFFC0];
	v4 =	vmul.f32 v4, v4  }
0xed: {  	v3 =	vsub.f32 v10, v3;
	v8 =	vld [tilespmem:s21+$0xFFFFFFD0];
	v2 =	vadd.f32 v2, v0;
	v0 =	vmov s23  }
0xee: {  	v0 =	vperm.xlane v6, v0;
	v6 =	vld [tilespmem:s19+$0xFFFFFFD0]  }
0xef: {  	v1 =	vsub.f32 v62, v1;
	v3 =	vmul.f32 v3, v3;
	v2 =	vadd.f32 v4, v2;
	v4 =	vld [tilespmem:s21+$0xFFFFFFE0]  }
0xf0: {  	v9 =	vld [tilespmem:s21+$0xFFFFFFF0];
	v5 =	vmul.f32 v5, v0  }
0xf1: {  	v1 =	vmul.f32 v1, v1;
	v2 =	vadd.f32 v3, v2;
	v3 =	vld [tilespmem:s19+$0xFFFFFFE0]  }
0xf2: {  	v10 =	vld [tilespmem:s19+$0xFFFFFFF0];
	v5 =	vsub.f32 v7, v5;
	v7 =	vmul.f32 v8, v0  }
0xf3: {  	v8 =	vld [tilespmem:s21+$0x0];
	v1 =	vadd.f32 v1, v2  }
0xf4: {  	v2 =	vmul.f32 v5, v5;
	v5 =	vsub.f32 v6, v7;
	v7 =	vld [tilespmem:s21+$0x10];
	v6 =	vmul.f32 v4, v0  }
0xf5: {  	v63 =	vmul.f32 v9, v0;
	v4 =	vld [tilespmem:s19+$0x0]  }
0xf6: {  	v2 =	vadd.f32 v2, v1;
	v11 =	vmul.f32 v5, v5;
	v5 =	vld [tilespmem:s21+$0x20];
	v3 =	vsub.f32 v3, v6  }
0xf7: {  	v10 =	vsub.f32 v10, v63;
	v1 =	vld [tilespmem:s19+$0x10]  }
0xf8: {  	s22 =	simm.s32 $0x1;
	v6 =	vmul.f32 v8, v0;
	v8 =	vadd.f32 v11, v2;
	v2 =	vld [tilespmem:s21+$0x30];
	v9 =	vmul.f32 v3, v3  }
0xf9: {  	s25 =	sand.u32 $0x70, s22;
	s23 =	simm.s32 $0x2;
	v3 =	vld [tilespmem:s19+$0x20];
	v7 =	vmul.f32 v7, v0  }
.LBB2_8:
0xfa: {  	p0 =	sne.s32 s23, $0x7F;
	v11 =	vld [tilespmem:s25+$0x380];
	v8 =	vadd.f32 v9, v8;
	v9 =	vmul.f32 v10, v10;
	v4 =	vsub.f32 v4, v6  }
0xfb: {  	s21 =	sadd.s32 $0x80, s21;
	v5 =	vmul.f32 v5, v0;
	v6 =	vld [tilespmem:s19+$0x30]  }
0xfc: {  	s19 =	sadd.s32 $0x80, s19;
	v10 =	vld [tilespmem:s21+$0xFFFFFFC0];
	v8 =	vadd.f32 v9, v8;
	v4 =	vmul.f32 v4, v4;
	v1 =	vsub.f32 v1, v7  }
0xfd: {  	v7 =	vmov s22;
	s22 =	smov.u32 s23;
	v9 =	vld [tilespmem:s19+$0xFFFFFFC0];
	v2 =	vmul.f32 v2, v0  }
0xfe: {  	v12 =	vld [tilespmem:s21+$0xFFFFFFD0];
	v4 =	vadd.f32 v4, v8;
	v1 =	vmul.f32 v1, v1;
	v3 =	vsub.f32 v3, v5  }
0xff: {  	v0 =	vperm.xlane v11, v7;
	v5 =	vld [tilespmem:s19+$0xFFFFFFD0]  }
0x100: {  	v7 =	vld [tilespmem:s21+$0xFFFFFFE0];
	v1 =	vadd.f32 v1, v4;
	v3 =	vmul.f32 v3, v3;
	v2 =	vsub.f32 v6, v2  }
0x101: {  	v4 =	vmul.f32 v10, v0;
	v6 =	vld [tilespmem:s21+$0xFFFFFFF0]  }
0x102: {  	v8 =	vld [tilespmem:s19+$0xFFFFFFE0];
	v1 =	vadd.f32 v3, v1;
	v2 =	vmul.f32 v2, v2  }
0x103: {  	v3 =	vsub.f32 v9, v4;
	v4 =	vmul.f32 v12, v0;
	v9 =	vld [tilespmem:s21+$0x0]  }
0x104: {  	v10 =	vld [tilespmem:s19+$0xFFFFFFF0];
	v1 =	vadd.f32 v2, v1  }
0x105: {  	v2 =	vmul.f32 v3, v3;
	v3 =	vsub.f32 v5, v4;
	v5 =	vmul.f32 v7, v0;
	v7 =	vld [tilespmem:s21+$0x10]  }
.Ltmp3:
0x106: {  	v11 =	vmul.f32 v6, v0;
	v4 =	vld [tilespmem:s19+$0x0];
	(pc) =	sbr.rel @p0 .LBB2_8-.Ltmp3, $4  }
0x107: {  	v2 =	vadd.f32 v2, v1;
	v3 =	vmul.f32 v3, v3;
	v12 =	vsub.f32 v8, v5;
	v5 =	vld [tilespmem:s21+$0x20]  }
0x108: {  	v6 =	vmul.f32 v9, v0;
	v1 =	vld [tilespmem:s19+$0x10]  }
0x109: {  	v8 =	vadd.f32 v3, v2;
	v9 =	vmul.f32 v12, v12;
	v10 =	vsub.f32 v10, v11;
	v2 =	vld [tilespmem:s21+$0x30]  }
0x10a: {  	s23 =	sadd.s32 $0x1, s23;
	s25 =	sand.u32 $0x70, s22;
	v7 =	vmul.f32 v7, v0;
	v3 =	vld [tilespmem:s19+$0x20]  }
0x10b: {  	v11 =	vld [tilespmem:s25+$0x380];
	v8 =	vadd.f32 v9, v8;
	v26 =	vmul.f32 v10, v10;
	v4 =	vsub.f32 v4, v6  }
0x10c: {  	v27 =	vld [tilespmem:s19+$0x30];
	s21 =	sadd.s32 $0x80, s21  }
0x10d: {  	s25 =	sadd.s32 $0x80, s19;
	v28 =	vld [tilespmem:s21+$0xFFFFFFC0];
	v8 =	vadd.f32 v26, v8;
	v4 =	vmul.f32 v4, v4  }
0x10e: {  	v5 =	vmul.f32 v5, v0;
	v30 =	vld [tilespmem:s25+$0xFFFFFFC0];
	v1 =	vsub.f32 v1, v7  }
0x10f: {  	v29 =	vmov s22;
	v32 =	vld [tilespmem:s21+$0xFFFFFFD0];
	v31 =	vmul.f32 v2, v0;
	v4 =	vadd.f32 v4, v8  }
0x110: {  	v35 =	vld [tilespmem:s21+$0xFFFFFFE0];
	v1 =	vmul.f32 v1, v1;
	v3 =	vsub.f32 v3, v5;
	v33 =	vperm.xlane v11, v29  }
0x111: {  	v34 =	vld [tilespmem:s25+$0xFFFFFFD0];
	v0 =	vsub.f32 v27, v31  }
0x112: {  	v37 =	vld [tilespmem:s21+$0xFFFFFFF0];
	v1 =	vadd.f32 v1, v4;
	v3 =	vmul.f32 v3, v3;
	v36 =	vmul.f32 v28, v33  }
0x113: {  	v38 =	vld [tilespmem:s25+$0xFFFFFFE0];
	v0 =	vmul.f32 v0, v0  }
0x114: {  	v40 =	vld [tilespmem:s21+$0x0];
	v2 =	vmul.f32 v32, v33;
	v1 =	vadd.f32 v3, v1;
	v39 =	vsub.f32 v30, v36  }
0x115: {  	v41 =	vld [tilespmem:s25+$0xFFFFFFF0];
	v43 =	vmul.f32 v35, v33  }
0x116: {  	v44 =	vld [tilespmem:s21+$0x10];
	v2 =	vsub.f32 v34, v2;
	v0 =	vadd.f32 v0, v1;
	v42 =	vmul.f32 v39, v39  }
0x117: {  	v45 =	vld [tilespmem:s25+$0x0];
	v6 =	vmul.f32 v37, v33  }
0x118: {  	v48 =	vld [tilespmem:s21+$0x20];
	v47 =	vsub.f32 v38, v43;
	v46 =	vmul.f32 v2, v2;
	v0 =	vadd.f32 v42, v0  }
0x119: {  	v49 =	vld [tilespmem:s25+$0x10];
	v4 =	vmul.f32 v40, v33  }
0x11a: {  	v52 =	vld [tilespmem:s21+$0x30];
	v51 =	vsub.f32 v41, v6;
	v50 =	vmul.f32 v47, v47;
	v0 =	vadd.f32 v46, v0  }
0x11b: {  	v53 =	vld [tilespmem:s25+$0x20];
	v7 =	vmul.f32 v44, v33  }
0x11c: {  	v55 =	vsub.f32 v45, v4;
	v54 =	vmul.f32 v51, v51;
	v0 =	vadd.f32 v50, v0  }
0x11d: {  	v56 =	vld [tilespmem:s25+$0x30];
	v3 =	vmul.f32 v48, v33  }
0x11e: {  	v58 =	vsub.f32 v49, v7;
	v57 =	vmul.f32 v55, v55;
	v0 =	vadd.f32 v54, v0  }
0x11f: {  	v5 =	vmul.f32 v52, v33  }
0x120: {  	v60 =	vsub.f32 v53, v3;
	v59 =	vmul.f32 v58, v58;
	v0 =	vadd.f32 v57, v0;
	_ =	sdelay $0x1  }
0x121: {  	v62 =	vsub.f32 v56, v5;
	v61 =	vmul.f32 v60, v60;
	v0 =	vadd.f32 v59, v0;
	_ =	sdelay $0x1  }
0x122: {  	v63 =	vmul.f32 v62, v62;
	v0 =	vadd.f32 v61, v0;
	_ =	sdelay $0x1  }
0x123: {  	v0 =	vadd.f32 v63, v0;
	_ =	sdelay $0x1  }
0x124: {  	s17 =	sadd.s32 $0x1, s17;
	v0 =	vmul.f32 $1.525878870e-07, v0  }
0x125: {  	p0 =	sne.s32 s17, s11  }
.Ltmp4:
0x126: {  	[tilespmem:$0x18400] =	vst v0;
	(pc) =	sbr.rel @p0 .LBB2_1-.Ltmp4, $4  }
0x127: {  	[hbm4b:s10+s4] =	stream.linear.scatter [tilespmem:s16], [sflag:$0x8], $0x80, $0x38;
	[tilespmem:$0x18480] =	vst v63  }
0x128: {  	_ =	swait.ge [sflag:s13], $0x80  }
0x129: {  	[sflag:s13] =	ssyncset.done $0x0  }
0x12a: {  	[sflag:s13] =	ssyncadd.s32 $0xFFFFFF80  }
0x12b: {  	_ =	sfence.sel $0x180000  }
0x12c: {  	[bflag:$0x0] =	sbarrier.arrive $0xFFFF  }
0x12d: {  	_ =	strace $0x90000047  }
0x12e: {  	s0 =	stileid.u32;
	[bflag:$0x2] =	sbarrier.arrive $0xFFFF  }
0x12f: {  	p0 =	sne.s32 s0, $0x0;
	s0 =	rddreg [dreg:$0x5]  }
0x130: {  	s0 =	sadd.s32 @!p0 $0x100000, s0  }
0x131: {  	[sflag:s0] =	ssyncadd.tile.s32 @!p0 $0x1;
	_ =	shalt  }
.Lfunc_end2:
_tile_overlayer_lowered:
.L_overlay_start_2:
0x132: {  	(tag) =	ssettag $0x2  }
0x133: {  	s0 =	rddreg [dreg:$0x0];
	s2 =	stileid.u32  }
0x134: {  	s1 =	rddreg [dreg:$0x1];
	p0 =	sne.s32 s2, $0x0  }
0x135: {  	s3 =	rddreg [dreg:$0x2];
	[bflag:$0x3] =	sbarrier.arrive $0xFFFF;
	s2 =	simm.s32 @!p0 $0x1C08  }
0x136: {  	[timem:s3], [sflag:s2] =	dma.local @!p0 [hbm:s0], s1  }
0x137: {  	s0 =	simm.s32 @!p0 $0x8  }
0x138: {  	_ =	swait.ge @!p0 [sflag:s0], s1  }
0x139: {  	s1 =	ssub.s32 @!p0 $0x0, s1;
	[sflag:s0] =	ssyncset.done @!p0 $0x0  }
0x13a: {  	[sflag:s0] =	ssyncadd.s32 @!p0 s1  }
0x13b: {  	[bflag:$0x3] =	sbarrier.arrive $0xFFFF  }
0x13c: {  	_ =	shalt  }

</sc_bundles>
